<compile_context>
chip_gen: v7x
topology: tpu7x:2x2x1
jax: 0.10.2.dev20260603
libtpu: 0.0.44.dev20260713+nightly
codegen_flags: <defaults>
</compile_context>

<pallas_src>
import functools

import jax
import jax.numpy as jnp
from jax import lax
from jax.experimental import pallas as pl
from jax.experimental.pallas import tpu as pltpu
from jax.experimental.pallas import tpu_sc as plsc

NC = 2
NS = 16
NW = NC * NS
CH = 128


def _mesh():
    return plsc.VectorSubcoreMesh(core_axis_name="c", subcore_axis_name="s")


def _npad(n):
    return ((n + CH * NS - 1) // (CH * NS)) * (CH * NS)


def _node_matmuls(x, w1a, w1b):
    n, df = x.shape
    do = w1a.shape[1]
    bn = 2048

    def body(x_ref, wa_ref, wb_ref, p_ref, q_ref):
        xv = x_ref[...]
        p_ref[...] = jnp.dot(xv, wa_ref[...], preferred_element_type=jnp.float32)
        q_ref[...] = jnp.dot(xv, wb_ref[...], preferred_element_type=jnp.float32)

    return pl.pallas_call(
        body,
        grid=(n // bn,),
        in_specs=[
            pl.BlockSpec((bn, df), lambda i: (i, 0)),
            pl.BlockSpec((df, do), lambda i: (0, 0)),
            pl.BlockSpec((df, do), lambda i: (0, 0)),
        ],
        out_specs=[
            pl.BlockSpec((bn, do), lambda i: (i, 0)),
            pl.BlockSpec((bn, do), lambda i: (i, 0)),
        ],
        out_shape=[
            jax.ShapeDtypeStruct((n, do), jnp.float32),
            jax.ShapeDtypeStruct((n, do), jnp.float32),
        ],
    )(x, w1a, w1b)


def _sc_gather(p, q, row, col):
    d = p.shape[1]
    e = row.shape[0]
    epw = e // NW
    nfull = epw // CH

    @functools.partial(
        pl.kernel,
        out_type=(jax.ShapeDtypeStruct((e, d), jnp.float32),
                  jax.ShapeDtypeStruct((e, d), jnp.float32)),
        mesh=_mesh(),
        scratch_types=[
            pltpu.VMEM((CH,), jnp.int32),
            pltpu.VMEM((CH,), jnp.int32),
            pltpu.VMEM((CH, d), jnp.float32),
            pltpu.VMEM((CH, d), jnp.float32),
            pltpu.SemaphoreType.DMA,
            pltpu.SemaphoreType.DMA,
        ],
    )
    def k(p_hbm, q_hbm, row_hbm, col_hbm, gp_hbm, gq_hbm,
          ri, ci, bp, bq, s1, s2):
        wid = lax.axis_index("s") * NC + lax.axis_index("c")
        base = wid * epw

        def body(i, _):
            off = base + i * CH
            pltpu.sync_copy(row_hbm.at[pl.ds(off, CH)], ri)
            pltpu.sync_copy(col_hbm.at[pl.ds(off, CH)], ci)
            c1 = pltpu.async_copy(p_hbm.at[ri], bp, s1)
            c2 = pltpu.async_copy(q_hbm.at[ci], bq, s2)
            c1.wait()
            c2.wait()
            pltpu.sync_copy(bp, gp_hbm.at[pl.ds(off, CH), :])
            pltpu.sync_copy(bq, gq_hbm.at[pl.ds(off, CH), :])
            return 0

        lax.fori_loop(0, nfull, body, 0)

    return k(p, q, row, col)


def _sc_counts(row, npad, d):
    e = row.shape[0]
    epw = e // NW
    nfull = epw // CH
    npc = npad // NS
    nzc = npc // CH

    zeros = jnp.zeros((CH, d), jnp.float32)
    ones = jnp.ones((CH, d), jnp.float32)

    @functools.partial(
        pl.kernel,
        out_type=jax.ShapeDtypeStruct((NC * npad, d), jnp.float32),
        mesh=_mesh(),
        scratch_types=[
            pltpu.VMEM((CH,), jnp.int32),
            pltpu.VMEM((CH, d), jnp.float32),
            pltpu.VMEM((CH, d), jnp.float32),
            pltpu.VMEM_SHARED((npad, d), jnp.float32),
        ],
    )
    def k(row_hbm, z_hbm, on_hbm, cnt_hbm, idx, buf, onev, cnt_s):
        cid = lax.axis_index("c")
        sid = lax.axis_index("s")
        nbase = sid * npc
        pltpu.sync_copy(z_hbm, buf)

        def zbody(j, _):
            pltpu.sync_copy(buf, cnt_s.at[pl.ds(nbase + j * CH, CH), :])
            return 0

        lax.fori_loop(0, nzc, zbody, 0)
        pltpu.sync_copy(on_hbm, onev)
        plsc.subcore_barrier()

        base = (cid * NS + sid) * epw

        def body(i, _):
            pltpu.sync_copy(row_hbm.at[pl.ds(base + i * CH, CH)], idx)
            pltpu.sync_copy(onev, cnt_s.at[idx], add=True)
            return 0

        lax.fori_loop(0, nfull, body, 0)
        plsc.subcore_barrier()
        obase = cid * npad + nbase

        def obody(j, _):
            pltpu.sync_copy(cnt_s.at[pl.ds(nbase + j * CH, CH), :], buf)
            pltpu.sync_copy(buf, cnt_hbm.at[pl.ds(obase + j * CH, CH), :])
            return 0

        lax.fori_loop(0, nzc, obody, 0)

    return k(row, zeros, ones)


def _edge_mlp(gp, gq, ea, w1c, b1, w2, b2):
    e, d = gp.shape
    de = ea.shape[1]
    be = 1280

    def body(gp_ref, gq_ref, ea_ref, w1c_ref, b1_ref, w2_ref, b2_ref, o_ref):
        pre = (gp_ref[...] + gq_ref[...] + b1_ref[...]
               + jnp.dot(ea_ref[...], w1c_ref[...],
                         preferred_element_type=jnp.float32))
        h = jnp.maximum(pre, 0.0)
        o_ref[...] = (jnp.dot(h, w2_ref[...], preferred_element_type=jnp.float32)
                      + b2_ref[...])

    return pl.pallas_call(
        body,
        grid=(e // be,),
        in_specs=[
            pl.BlockSpec((be, d), lambda i: (i, 0)),
            pl.BlockSpec((be, d), lambda i: (i, 0)),
            pl.BlockSpec((be, de), lambda i: (i, 0)),
            pl.BlockSpec((de, d), lambda i: (0, 0)),
            pl.BlockSpec((1, d), lambda i: (0, 0)),
            pl.BlockSpec((d, d), lambda i: (0, 0)),
            pl.BlockSpec((1, d), lambda i: (0, 0)),
        ],
        out_specs=pl.BlockSpec((be, d), lambda i: (i, 0)),
        out_shape=jax.ShapeDtypeStruct((e, d), jnp.float32),
    )(gp, gq, ea, w1c, b1, w2, b2)


def _sc_scatter(edge_out, row, npad):
    e, d = edge_out.shape
    epw = e // NW
    nfull = epw // CH
    npc = npad // NS
    nzc = npc // CH

    zeros = jnp.zeros((CH, d), jnp.float32)

    @functools.partial(
        pl.kernel,
        out_type=jax.ShapeDtypeStruct((NC * npad, d), jnp.float32),
        mesh=_mesh(),
        scratch_types=[
            pltpu.VMEM((CH,), jnp.int32),
            pltpu.VMEM((CH, d), jnp.float32),
            pltpu.VMEM_SHARED((npad, d), jnp.float32),
        ],
    )
    def k(eo_hbm, row_hbm, zs_hbm, sums_hbm, idx, val, acc_s):
        cid = lax.axis_index("c")
        sid = lax.axis_index("s")
        nbase = sid * npc
        pltpu.sync_copy(zs_hbm, val)

        def zbody(j, _):
            pltpu.sync_copy(val, acc_s.at[pl.ds(nbase + j * CH, CH), :])
            return 0

        lax.fori_loop(0, nzc, zbody, 0)
        plsc.subcore_barrier()

        base = (cid * NS + sid) * epw

        def body(i, _):
            off = base + i * CH
            pltpu.sync_copy(row_hbm.at[pl.ds(off, CH)], idx)
            pltpu.sync_copy(eo_hbm.at[pl.ds(off, CH), :], val)
            pltpu.sync_copy(val, acc_s.at[idx], add=True)
            return 0

        lax.fori_loop(0, nfull, body, 0)
        plsc.subcore_barrier()
        obase = cid * npad + nbase

        def obody(j, _):
            pltpu.sync_copy(acc_s.at[pl.ds(nbase + j * CH, CH), :], val)
            pltpu.sync_copy(val, sums_hbm.at[pl.ds(obase + j * CH, CH), :])
            return 0

        lax.fori_loop(0, nzc, obody, 0)

    return k(edge_out, row, zeros)


def _finalize(s0, s1, c0, c1):
    n, d = s0.shape
    cw = c0.shape[1]
    bn = 2000

    def body(s0_ref, s1_ref, c0_ref, c1_ref, o_ref):
        cnt = c0_ref[...][:, 0:1] + c1_ref[...][:, 0:1]
        o_ref[...] = (s0_ref[...] + s1_ref[...]) / jnp.maximum(cnt, 1.0)

    return pl.pallas_call(
        body,
        grid=(n // bn,),
        in_specs=[
            pl.BlockSpec((bn, d), lambda i: (i, 0)),
            pl.BlockSpec((bn, d), lambda i: (i, 0)),
            pl.BlockSpec((bn, cw), lambda i: (i, 0)),
            pl.BlockSpec((bn, cw), lambda i: (i, 0)),
        ],
        out_specs=pl.BlockSpec((bn, d), lambda i: (i, 0)),
        out_shape=jax.ShapeDtypeStruct((n, d), jnp.float32),
    )(s0, s1, c0, c1)


def kernel(x, edge_index, edge_attr, W1, b1, W2, b2):
    n, df = x.shape
    do = W2.shape[1]
    e = edge_index.shape[1]
    de = edge_attr.shape[1]
    row = edge_index[0]
    col = edge_index[1]

    w1a = W1[:df]
    w1b = W1[df:2 * df]
    w1c = W1[2 * df:]

    npad = _npad(n)
    epad = ((e + NW * CH - 1) // (NW * CH)) * (NW * CH)
    pad_e = epad - e
    pad_n = npad - n

    xp = jnp.concatenate([x, jnp.zeros((pad_n, df), x.dtype)], axis=0)
    sac = jnp.full((pad_e,), npad - 1, row.dtype)
    rowp = jnp.concatenate([row, sac])
    colp = jnp.concatenate([col, sac])
    eap = jnp.concatenate([edge_attr, jnp.zeros((pad_e, de), edge_attr.dtype)],
                          axis=0)

    p, q = _node_matmuls(xp, w1a, w1b)
    gp, gq = _sc_gather(p, q, rowp, colp)
    cnts = _sc_counts(rowp, npad, do)
    edge_out_p = _edge_mlp(gp, gq, eap, w1c,
                           b1.reshape(1, do), W2, b2.reshape(1, do))
    sums = _sc_scatter(edge_out_p, rowp, npad)
    node_out = _finalize(sums[:n], sums[npad:npad + n],
                         cnts[:n], cnts[npad:npad + n])
    return (node_out, edge_out_p[:e])

# --- scband reference (transcript-rebuilt; emitter-appended) ---
"""Pipeline reference for scband-edge-conv-50818053046294 (READ-ONLY COPY).

The authoritative reference and input builder live on the scoring server;
editing this copy changes nothing except your own understanding.
"""

import jax, jax.numpy as jnp
import numpy as np

N = 10000
E = 320000
DF = 128
DE = 16
DO = 128

def setup_inputs(seed: int = 0) -> dict:
    key = jax.random.key(seed)
    ks = jax.random.split(key, 8)
    x = jax.random.normal(ks[0], (N, DF), dtype=jnp.float32)
    edge_index = jax.random.randint(ks[1], (2, E), 0, N, dtype=jnp.int32)
    edge_attr = jax.random.normal(ks[2], (E, DE), dtype=jnp.float32)
    fan1 = 2 * DF + DE
    W1 = jax.random.normal(ks[3], (fan1, DO), dtype=jnp.float32) * (1.0 / np.sqrt(fan1))
    b1 = jnp.zeros((DO,), dtype=jnp.float32)
    W2 = jax.random.normal(ks[4], (DO, DO), dtype=jnp.float32) * (1.0 / np.sqrt(DO))
    b2 = jnp.zeros((DO,), dtype=jnp.float32)
    return {"x": x, "edge_index": edge_index, "edge_attr": edge_attr, "W1": W1, "b1": b1, "W2": W2, "b2": b2}

def reference(x, edge_index, edge_attr, W1, b1, W2, b2):
    row = edge_index[0]
    col = edge_index[1]
    x_i = jnp.take(x, row, axis=0)
    x_j = jnp.take(x, col, axis=0)
    W = jnp.concatenate([x_i, x_j, edge_attr], axis=1)
    h = jnp.maximum(W @ W1 + b1, 0.0)
    edge_out = h @ W2 + b2
    sums = jax.ops.segment_sum(edge_out, row, num_segments=N)
    counts = jax.ops.segment_sum(jnp.ones((E,), dtype=jnp.float32), row, num_segments=N)
    node_out = sums / jnp.maximum(counts, 1.0)[:, None]
    return (node_out, edge_out)

if __name__ == "__main__":
    import jax
    _d = setup_inputs()
    print(jax.jit(kernel)(*tuple(_d.values())))

</pallas_src>

<mosaic_0001>
#map = affine_map<(d0, d1) -> (0, 0)>
#map1 = affine_map<(d0, d1) -> (0)>
module attributes {stable_mosaic.version = 14 : i64} {
  func.func @k(%arg0: i32, %arg1: i32, %arg2: memref<10240x128xf32, #tpu.memory_space<hbm>>, %arg3: memref<10240x128xf32, #tpu.memory_space<hbm>>, %arg4: memref<323584xi32, #tpu.memory_space<hbm>>, %arg5: memref<323584xi32, #tpu.memory_space<hbm>>, %arg6: memref<323584x128xf32, #tpu.memory_space<hbm>>, %arg7: memref<323584x128xf32, #tpu.memory_space<hbm>>, %arg8: memref<128xi32, #tpu.memory_space<vmem>>, %arg9: memref<128xi32, #tpu.memory_space<vmem>>, %arg10: memref<128x128xf32, #tpu.memory_space<vmem>>, %arg11: memref<128x128xf32, #tpu.memory_space<vmem>>, %arg12: memref<!tpu.dma_semaphore, #tpu.memory_space<semaphore_mem>>, %arg13: memref<!tpu.dma_semaphore, #tpu.memory_space<semaphore_mem>>) attributes {dimension_semantics = [#tpu.dimension_semantics<core_parallel>, #tpu.dimension_semantics<subcore_parallel>], iteration_bounds = array<i64: 2, 16>, scalar_prefetch = 0 : i64, scratch_operands = 6 : i64, tpu.core_type = #tpu.core_type<sc_vector_subcore>, window_params = [{transform_indices = #map}, {transform_indices = #map}, {transform_indices = #map1}, {transform_indices = #map1}, {transform_indices = #map}, {transform_indices = #map}]} {
    %mul3A = arith.constant 2 : i32
    %mul3A_0 = arith.muli %arg1, %mul3A : i32
    %add3A = arith.addi %mul3A_0, %arg0 : i32
    %mul3A_1 = arith.constant 10112 : i32
    %mul3A_2 = arith.muli %add3A, %mul3A_1 : i32
    %scan3A = arith.constant 0 : i32
    %scan3A_3 = arith.constant 0 : i32
    %scan3A_4 = arith.constant 79 : i32
    %scan3A_5 = arith.addi %scan3A_3, %scan3A_4 : i32
    %scan3A_6 = arith.constant 1 : i32
    %scan3A_7 = scf.for %scan3A_9 = %scan3A_3 to %scan3A_5 step %scan3A_6 iter_args(%scan3A_10 = %scan3A) -> (i32)  : i32 {
      %mul3A_11 = arith.constant 128 : i32
      %mul3A_12 = arith.muli %scan3A_9, %mul3A_11 : i32
      %add3A_13 = arith.addi %mul3A_2, %mul3A_12 : i32
      "tpu.region"() ({
        %run_scoped3A = tpu.sem_alloc : memref<!tpu.dma_semaphore, #tpu.memory_space<semaphore_mem>>
        %dma_start3A_25 = tpu.memref_slice %arg4[%add3A_13] : memref<323584xi32, #tpu.memory_space<hbm>> -> memref<128xi32, #tpu.memory_space<hbm>>
        %dma_start3A_26 = tpu.memref_slice %arg4[%add3A_13] : memref<323584xi32, #tpu.memory_space<hbm>> -> memref<128xi32, #tpu.memory_space<hbm>>
        tpu.enqueue_dma source(%dma_start3A_26 : memref<128xi32, #tpu.memory_space<hbm>>) target(%arg8 : memref<128xi32, #tpu.memory_space<vmem>>) target_semaphore(%run_scoped3A : memref<!tpu.dma_semaphore, #tpu.memory_space<semaphore_mem>>)
        %dma_wait3A_27 = tpu.memref_slice %arg4[%add3A_13] : memref<323584xi32, #tpu.memory_space<hbm>> -> memref<128xi32, #tpu.memory_space<hbm>>
        %dma_wait3A_28 = tpu.memref_slice %arg4[%add3A_13] : memref<323584xi32, #tpu.memory_space<hbm>> -> memref<128xi32, #tpu.memory_space<hbm>>
        tpu.wait_dma2 semaphore(%run_scoped3A : memref<!tpu.dma_semaphore, #tpu.memory_space<semaphore_mem>>) src(%dma_wait3A_28 : memref<128xi32, #tpu.memory_space<hbm>>) dst(%arg8 : memref<128xi32, #tpu.memory_space<vmem>>)
        tpu.yield
      }) : () -> ()
      "tpu.region"() ({
        %run_scoped3A = tpu.sem_alloc : memref<!tpu.dma_semaphore, #tpu.memory_space<semaphore_mem>>
        %dma_start3A_25 = tpu.memref_slice %arg5[%add3A_13] : memref<323584xi32, #tpu.memory_space<hbm>> -> memref<128xi32, #tpu.memory_space<hbm>>
        %dma_start3A_26 = tpu.memref_slice %arg5[%add3A_13] : memref<323584xi32, #tpu.memory_space<hbm>> -> memref<128xi32, #tpu.memory_space<hbm>>
        tpu.enqueue_dma source(%dma_start3A_26 : memref<128xi32, #tpu.memory_space<hbm>>) target(%arg9 : memref<128xi32, #tpu.memory_space<vmem>>) target_semaphore(%run_scoped3A : memref<!tpu.dma_semaphore, #tpu.memory_space<semaphore_mem>>)
        %dma_wait3A_27 = tpu.memref_slice %arg5[%add3A_13] : memref<323584xi32, #tpu.memory_space<hbm>> -> memref<128xi32, #tpu.memory_space<hbm>>
        %dma_wait3A_28 = tpu.memref_slice %arg5[%add3A_13] : memref<323584xi32, #tpu.memory_space<hbm>> -> memref<128xi32, #tpu.memory_space<hbm>>
        tpu.wait_dma2 semaphore(%run_scoped3A : memref<!tpu.dma_semaphore, #tpu.memory_space<semaphore_mem>>) src(%dma_wait3A_28 : memref<128xi32, #tpu.memory_space<hbm>>) dst(%arg9 : memref<128xi32, #tpu.memory_space<vmem>>)
        tpu.yield
      }) : () -> ()
      %dma_start3A = arith.constant 0 : i32
      %dma_start3A_14 = arith.constant 0 : i32
      %dma_start3A_15 = tpu.memref_slice %arg2[%dma_start3A, %dma_start3A_14] : memref<10240x128xf32, #tpu.memory_space<hbm>> -> memref<10240x128xf32, #tpu.memory_space<hbm>>
      tpu.enqueue_indirect_dma source(%dma_start3A_15 : memref<10240x128xf32, #tpu.memory_space<hbm>>) target(%arg10 : memref<128x128xf32, #tpu.memory_space<vmem>>) offsets(%arg8 : memref<128xi32, #tpu.memory_space<vmem>>) semaphore(%arg12 : memref<!tpu.dma_semaphore, #tpu.memory_space<semaphore_mem>>)
      %dma_start3A_16 = arith.constant 0 : i32
      %dma_start3A_17 = arith.constant 0 : i32
      %dma_start3A_18 = tpu.memref_slice %arg3[%dma_start3A_16, %dma_start3A_17] : memref<10240x128xf32, #tpu.memory_space<hbm>> -> memref<10240x128xf32, #tpu.memory_space<hbm>>
      tpu.enqueue_indirect_dma source(%dma_start3A_18 : memref<10240x128xf32, #tpu.memory_space<hbm>>) target(%arg11 : memref<128x128xf32, #tpu.memory_space<vmem>>) offsets(%arg9 : memref<128xi32, #tpu.memory_space<vmem>>) semaphore(%arg13 : memref<!tpu.dma_semaphore, #tpu.memory_space<semaphore_mem>>)
      %dma_wait3A = arith.constant 0 : i32
      %dma_wait3A_19 = arith.constant 0 : i32
      %dma_wait3A_20 = tpu.memref_slice %arg2[%dma_wait3A, %dma_wait3A_19] : memref<10240x128xf32, #tpu.memory_space<hbm>> -> memref<10240x128xf32, #tpu.memory_space<hbm>>
      tpu.wait_indirect_dma semaphore(%arg12 : memref<!tpu.dma_semaphore, #tpu.memory_space<semaphore_mem>>) src(%dma_wait3A_20 : memref<10240x128xf32, #tpu.memory_space<hbm>>) dst(%arg10 : memref<128x128xf32, #tpu.memory_space<vmem>>)
      %dma_wait3A_21 = arith.constant 0 : i32
      %dma_wait3A_22 = arith.constant 0 : i32
      %dma_wait3A_23 = tpu.memref_slice %arg3[%dma_wait3A_21, %dma_wait3A_22] : memref<10240x128xf32, #tpu.memory_space<hbm>> -> memref<10240x128xf32, #tpu.memory_space<hbm>>
      tpu.wait_indirect_dma semaphore(%arg13 : memref<!tpu.dma_semaphore, #tpu.memory_space<semaphore_mem>>) src(%dma_wait3A_23 : memref<10240x128xf32, #tpu.memory_space<hbm>>) dst(%arg11 : memref<128x128xf32, #tpu.memory_space<vmem>>)
      "tpu.region"() ({
        %run_scoped3A = tpu.sem_alloc : memref<!tpu.dma_semaphore, #tpu.memory_space<semaphore_mem>>
        %dma_start3A_25 = arith.constant 0 : i32
        %dma_start3A_26 = tpu.memref_slice %arg6[%add3A_13, %dma_start3A_25] : memref<323584x128xf32, #tpu.memory_space<hbm>> -> memref<128x128xf32, #tpu.memory_space<hbm>>
        %dma_start3A_27 = arith.constant 0 : i32
        %dma_start3A_28 = tpu.memref_slice %arg6[%add3A_13, %dma_start3A_27] : memref<323584x128xf32, #tpu.memory_space<hbm>> -> memref<128x128xf32, #tpu.memory_space<hbm>>
        tpu.enqueue_dma source(%arg10 : memref<128x128xf32, #tpu.memory_space<vmem>>) target(%dma_start3A_28 : memref<128x128xf32, #tpu.memory_space<hbm>>) target_semaphore(%run_scoped3A : memref<!tpu.dma_semaphore, #tpu.memory_space<semaphore_mem>>)
        %dma_wait3A_29 = arith.constant 0 : i32
        %dma_wait3A_30 = tpu.memref_slice %arg6[%add3A_13, %dma_wait3A_29] : memref<323584x128xf32, #tpu.memory_space<hbm>> -> memref<128x128xf32, #tpu.memory_space<hbm>>
        %dma_wait3A_31 = arith.constant 0 : i32
        %dma_wait3A_32 = tpu.memref_slice %arg6[%add3A_13, %dma_wait3A_31] : memref<323584x128xf32, #tpu.memory_space<hbm>> -> memref<128x128xf32, #tpu.memory_space<hbm>>
        tpu.wait_dma2 semaphore(%run_scoped3A : memref<!tpu.dma_semaphore, #tpu.memory_space<semaphore_mem>>) src(%arg10 : memref<128x128xf32, #tpu.memory_space<vmem>>) dst(%dma_wait3A_32 : memref<128x128xf32, #tpu.memory_space<hbm>>)
        tpu.yield
      }) : () -> ()
      "tpu.region"() ({
        %run_scoped3A = tpu.sem_alloc : memref<!tpu.dma_semaphore, #tpu.memory_space<semaphore_mem>>
        %dma_start3A_25 = arith.constant 0 : i32
        %dma_start3A_26 = tpu.memref_slice %arg7[%add3A_13, %dma_start3A_25] : memref<323584x128xf32, #tpu.memory_space<hbm>> -> memref<128x128xf32, #tpu.memory_space<hbm>>
        %dma_start3A_27 = arith.constant 0 : i32
        %dma_start3A_28 = tpu.memref_slice %arg7[%add3A_13, %dma_start3A_27] : memref<323584x128xf32, #tpu.memory_space<hbm>> -> memref<128x128xf32, #tpu.memory_space<hbm>>
        tpu.enqueue_dma source(%arg11 : memref<128x128xf32, #tpu.memory_space<vmem>>) target(%dma_start3A_28 : memref<128x128xf32, #tpu.memory_space<hbm>>) target_semaphore(%run_scoped3A : memref<!tpu.dma_semaphore, #tpu.memory_space<semaphore_mem>>)
        %dma_wait3A_29 = arith.constant 0 : i32
        %dma_wait3A_30 = tpu.memref_slice %arg7[%add3A_13, %dma_wait3A_29] : memref<323584x128xf32, #tpu.memory_space<hbm>> -> memref<128x128xf32, #tpu.memory_space<hbm>>
        %dma_wait3A_31 = arith.constant 0 : i32
        %dma_wait3A_32 = tpu.memref_slice %arg7[%add3A_13, %dma_wait3A_31] : memref<323584x128xf32, #tpu.memory_space<hbm>> -> memref<128x128xf32, #tpu.memory_space<hbm>>
        tpu.wait_dma2 semaphore(%run_scoped3A : memref<!tpu.dma_semaphore, #tpu.memory_space<semaphore_mem>>) src(%arg11 : memref<128x128xf32, #tpu.memory_space<vmem>>) dst(%dma_wait3A_32 : memref<128x128xf32, #tpu.memory_space<hbm>>)
        tpu.yield
      }) : () -> ()
      %scan3A_24 = arith.constant 0 : i32
      scf.yield %scan3A_24 : i32
    }
    %scan3A_8 = arith.constant 79 : i32
    return
  }
}

#map = affine_map<(d0, d1) -> (0)>
#map1 = affine_map<(d0, d1) -> (0, 0)>
module attributes {stable_mosaic.version = 14 : i64} {
  func.func @k(%arg0: i32, %arg1: i32, %arg2: memref<323584xi32, #tpu.memory_space<hbm>>, %arg3: memref<128x128xf32, #tpu.memory_space<hbm>>, %arg4: memref<128x128xf32, #tpu.memory_space<hbm>>, %arg5: memref<20480x128xf32, #tpu.memory_space<hbm>>, %arg6: memref<128xi32, #tpu.memory_space<vmem>>, %arg7: memref<128x128xf32, #tpu.memory_space<vmem>>, %arg8: memref<128x128xf32, #tpu.memory_space<vmem>>, %arg9: memref<10240x128xf32, #tpu.memory_space<vmem_shared>>) attributes {dimension_semantics = [#tpu.dimension_semantics<core_parallel>, #tpu.dimension_semantics<subcore_parallel>], iteration_bounds = array<i64: 2, 16>, scalar_prefetch = 0 : i64, scratch_operands = 4 : i64, tpu.core_type = #tpu.core_type<sc_vector_subcore>, window_params = [{transform_indices = #map}, {transform_indices = #map1}, {transform_indices = #map1}, {transform_indices = #map1}]} {
    %mul3A = arith.constant 640 : i32
    %mul3A_0 = arith.muli %arg1, %mul3A : i32
    "tpu.region"() ({
      %run_scoped3A = tpu.sem_alloc : memref<!tpu.dma_semaphore, #tpu.memory_space<semaphore_mem>>
      tpu.enqueue_dma source(%arg3 : memref<128x128xf32, #tpu.memory_space<hbm>>) target(%arg7 : memref<128x128xf32, #tpu.memory_space<vmem>>) target_semaphore(%run_scoped3A : memref<!tpu.dma_semaphore, #tpu.memory_space<semaphore_mem>>)
      tpu.wait_dma2 semaphore(%run_scoped3A : memref<!tpu.dma_semaphore, #tpu.memory_space<semaphore_mem>>) src(%arg3 : memref<128x128xf32, #tpu.memory_space<hbm>>) dst(%arg7 : memref<128x128xf32, #tpu.memory_space<vmem>>)
      tpu.yield
    }) : () -> ()
    %scan3A = arith.constant 0 : i32
    %scan3A_1 = arith.constant 0 : i32
    %scan3A_2 = arith.constant 5 : i32
    %scan3A_3 = arith.addi %scan3A_1, %scan3A_2 : i32
    %scan3A_4 = arith.constant 1 : i32
    %scan3A_5 = scf.for %scan3A_29 = %scan3A_1 to %scan3A_3 step %scan3A_4 iter_args(%scan3A_30 = %scan3A) -> (i32)  : i32 {
      %mul3A_31 = arith.constant 128 : i32
      %mul3A_32 = arith.muli %scan3A_29, %mul3A_31 : i32
      %add3A_33 = arith.addi %mul3A_0, %mul3A_32 : i32
      "tpu.region"() ({
        %run_scoped3A = tpu.sem_alloc : memref<!tpu.dma_semaphore, #tpu.memory_space<semaphore_mem>>
        %dma_start3A = arith.constant 0 : i32
        %dma_start3A_35 = tpu.memref_slice %arg9[%add3A_33, %dma_start3A] : memref<10240x128xf32, #tpu.memory_space<vmem_shared>> -> memref<128x128xf32, #tpu.memory_space<vmem_shared>>
        %dma_start3A_36 = arith.constant 0 : i32
        %dma_start3A_37 = tpu.memref_slice %arg9[%add3A_33, %dma_start3A_36] : memref<10240x128xf32, #tpu.memory_space<vmem_shared>> -> memref<128x128xf32, #tpu.memory_space<vmem_shared>>
        tpu.enqueue_dma source(%arg7 : memref<128x128xf32, #tpu.memory_space<vmem>>) target(%dma_start3A_37 : memref<128x128xf32, #tpu.memory_space<vmem_shared>>) target_semaphore(%run_scoped3A : memref<!tpu.dma_semaphore, #tpu.memory_space<semaphore_mem>>)
        %dma_wait3A = arith.constant 0 : i32
        %dma_wait3A_38 = tpu.memref_slice %arg9[%add3A_33, %dma_wait3A] : memref<10240x128xf32, #tpu.memory_space<vmem_shared>> -> memref<128x128xf32, #tpu.memory_space<vmem_shared>>
        %dma_wait3A_39 = arith.constant 0 : i32
        %dma_wait3A_40 = tpu.memref_slice %arg9[%add3A_33, %dma_wait3A_39] : memref<10240x128xf32, #tpu.memory_space<vmem_shared>> -> memref<128x128xf32, #tpu.memory_space<vmem_shared>>
        tpu.wait_dma2 semaphore(%run_scoped3A : memref<!tpu.dma_semaphore, #tpu.memory_space<semaphore_mem>>) src(%arg7 : memref<128x128xf32, #tpu.memory_space<vmem>>) dst(%dma_wait3A_40 : memref<128x128xf32, #tpu.memory_space<vmem_shared>>)
        tpu.yield
      }) : () -> ()
      %scan3A_34 = arith.constant 0 : i32
      scf.yield %scan3A_34 : i32
    }
    %scan3A_6 = arith.constant 5 : i32
    "tpu.region"() ({
      %run_scoped3A = tpu.sem_alloc : memref<!tpu.dma_semaphore, #tpu.memory_space<semaphore_mem>>
      tpu.enqueue_dma source(%arg4 : memref<128x128xf32, #tpu.memory_space<hbm>>) target(%arg8 : memref<128x128xf32, #tpu.memory_space<vmem>>) target_semaphore(%run_scoped3A : memref<!tpu.dma_semaphore, #tpu.memory_space<semaphore_mem>>)
      tpu.wait_dma2 semaphore(%run_scoped3A : memref<!tpu.dma_semaphore, #tpu.memory_space<semaphore_mem>>) src(%arg4 : memref<128x128xf32, #tpu.memory_space<hbm>>) dst(%arg8 : memref<128x128xf32, #tpu.memory_space<vmem>>)
      tpu.yield
    }) : () -> ()
    %barrier3A = arith.constant 0 : index
    tpu.barrier barrier_id(%barrier3A)
    %mul3A_7 = arith.constant 16 : i32
    %mul3A_8 = arith.muli %arg0, %mul3A_7 : i32
    %add3A = arith.addi %mul3A_8, %arg1 : i32
    %mul3A_9 = arith.constant 10112 : i32
    %mul3A_10 = arith.muli %add3A, %mul3A_9 : i32
    %scan3A_11 = arith.constant 0 : i32
    %scan3A_12 = arith.constant 0 : i32
    %scan3A_13 = arith.constant 79 : i32
    %scan3A_14 = arith.addi %scan3A_12, %scan3A_13 : i32
    %scan3A_15 = arith.constant 1 : i32
    %scan3A_16 = scf.for %scan3A_29 = %scan3A_12 to %scan3A_14 step %scan3A_15 iter_args(%scan3A_30 = %scan3A_11) -> (i32)  : i32 {
      %mul3A_31 = arith.constant 128 : i32
      %mul3A_32 = arith.muli %scan3A_29, %mul3A_31 : i32
      %add3A_33 = arith.addi %mul3A_10, %mul3A_32 : i32
      "tpu.region"() ({
        %run_scoped3A = tpu.sem_alloc : memref<!tpu.dma_semaphore, #tpu.memory_space<semaphore_mem>>
        %dma_start3A = tpu.memref_slice %arg2[%add3A_33] : memref<323584xi32, #tpu.memory_space<hbm>> -> memref<128xi32, #tpu.memory_space<hbm>>
        %dma_start3A_35 = tpu.memref_slice %arg2[%add3A_33] : memref<323584xi32, #tpu.memory_space<hbm>> -> memref<128xi32, #tpu.memory_space<hbm>>
        tpu.enqueue_dma source(%dma_start3A_35 : memref<128xi32, #tpu.memory_space<hbm>>) target(%arg6 : memref<128xi32, #tpu.memory_space<vmem>>) target_semaphore(%run_scoped3A : memref<!tpu.dma_semaphore, #tpu.memory_space<semaphore_mem>>)
        %dma_wait3A = tpu.memref_slice %arg2[%add3A_33] : memref<323584xi32, #tpu.memory_space<hbm>> -> memref<128xi32, #tpu.memory_space<hbm>>
        %dma_wait3A_36 = tpu.memref_slice %arg2[%add3A_33] : memref<323584xi32, #tpu.memory_space<hbm>> -> memref<128xi32, #tpu.memory_space<hbm>>
        tpu.wait_dma2 semaphore(%run_scoped3A : memref<!tpu.dma_semaphore, #tpu.memory_space<semaphore_mem>>) src(%dma_wait3A_36 : memref<128xi32, #tpu.memory_space<hbm>>) dst(%arg6 : memref<128xi32, #tpu.memory_space<vmem>>)
        tpu.yield
      }) : () -> ()
      "tpu.region"() ({
        %run_scoped3A = tpu.sem_alloc : memref<!tpu.dma_semaphore, #tpu.memory_space<semaphore_mem>>
        %dma_start3A = arith.constant 0 : i32
        %dma_start3A_35 = arith.constant 0 : i32
        %dma_start3A_36 = tpu.memref_slice %arg9[%dma_start3A, %dma_start3A_35] : memref<10240x128xf32, #tpu.memory_space<vmem_shared>> -> memref<10240x128xf32, #tpu.memory_space<vmem_shared>>
        tpu.enqueue_indirect_dma source(%arg8 : memref<128x128xf32, #tpu.memory_space<vmem>>) target(%dma_start3A_36 : memref<10240x128xf32, #tpu.memory_space<vmem_shared>>) offsets(%arg6 : memref<128xi32, #tpu.memory_space<vmem>>) semaphore(%run_scoped3A : memref<!tpu.dma_semaphore, #tpu.memory_space<semaphore_mem>>) {add = true}
        %dma_wait3A = arith.constant 0 : i32
        %dma_wait3A_37 = arith.constant 0 : i32
        %dma_wait3A_38 = tpu.memref_slice %arg9[%dma_wait3A, %dma_wait3A_37] : memref<10240x128xf32, #tpu.memory_space<vmem_shared>> -> memref<10240x128xf32, #tpu.memory_space<vmem_shared>>
        tpu.wait_indirect_dma semaphore(%run_scoped3A : memref<!tpu.dma_semaphore, #tpu.memory_space<semaphore_mem>>) src(%arg8 : memref<128x128xf32, #tpu.memory_space<vmem>>) dst(%dma_wait3A_38 : memref<10240x128xf32, #tpu.memory_space<vmem_shared>>)
        tpu.yield
      }) : () -> ()
      %scan3A_34 = arith.constant 0 : i32
      scf.yield %scan3A_34 : i32
    }
    %scan3A_17 = arith.constant 79 : i32
    %barrier3A_18 = arith.constant 0 : index
    tpu.barrier barrier_id(%barrier3A_18)
    %mul3A_19 = arith.constant 10240 : i32
    %mul3A_20 = arith.muli %arg0, %mul3A_19 : i32
    %add3A_21 = arith.addi %mul3A_20, %mul3A_0 : i32
    %scan3A_22 = arith.constant 0 : i32
    %scan3A_23 = arith.constant 0 : i32
    %scan3A_24 = arith.constant 5 : i32
    %scan3A_25 = arith.addi %scan3A_23, %scan3A_24 : i32
    %scan3A_26 = arith.constant 1 : i32
    %scan3A_27 = scf.for %scan3A_29 = %scan3A_23 to %scan3A_25 step %scan3A_26 iter_args(%scan3A_30 = %scan3A_22) -> (i32)  : i32 {
      %mul3A_31 = arith.constant 128 : i32
      %mul3A_32 = arith.muli %scan3A_29, %mul3A_31 : i32
      %add3A_33 = arith.addi %mul3A_0, %mul3A_32 : i32
      "tpu.region"() ({
        %run_scoped3A = tpu.sem_alloc : memref<!tpu.dma_semaphore, #tpu.memory_space<semaphore_mem>>
        %dma_start3A = arith.constant 0 : i32
        %dma_start3A_38 = tpu.memref_slice %arg9[%add3A_33, %dma_start3A] : memref<10240x128xf32, #tpu.memory_space<vmem_shared>> -> memref<128x128xf32, #tpu.memory_space<vmem_shared>>
        %dma_start3A_39 = arith.constant 0 : i32
        %dma_start3A_40 = tpu.memref_slice %arg9[%add3A_33, %dma_start3A_39] : memref<10240x128xf32, #tpu.memory_space<vmem_shared>> -> memref<128x128xf32, #tpu.memory_space<vmem_shared>>
        tpu.enqueue_dma source(%dma_start3A_40 : memref<128x128xf32, #tpu.memory_space<vmem_shared>>) target(%arg7 : memref<128x128xf32, #tpu.memory_space<vmem>>) target_semaphore(%run_scoped3A : memref<!tpu.dma_semaphore, #tpu.memory_space<semaphore_mem>>)
        %dma_wait3A = arith.constant 0 : i32
        %dma_wait3A_41 = tpu.memref_slice %arg9[%add3A_33, %dma_wait3A] : memref<10240x128xf32, #tpu.memory_space<vmem_shared>> -> memref<128x128xf32, #tpu.memory_space<vmem_shared>>
        %dma_wait3A_42 = arith.constant 0 : i32
        %dma_wait3A_43 = tpu.memref_slice %arg9[%add3A_33, %dma_wait3A_42] : memref<10240x128xf32, #tpu.memory_space<vmem_shared>> -> memref<128x128xf32, #tpu.memory_space<vmem_shared>>
        tpu.wait_dma2 semaphore(%run_scoped3A : memref<!tpu.dma_semaphore, #tpu.memory_space<semaphore_mem>>) src(%dma_wait3A_43 : memref<128x128xf32, #tpu.memory_space<vmem_shared>>) dst(%arg7 : memref<128x128xf32, #tpu.memory_space<vmem>>)
        tpu.yield
      }) : () -> ()
      %mul3A_34 = arith.constant 128 : i32
      %mul3A_35 = arith.muli %scan3A_29, %mul3A_34 : i32
      %add3A_36 = arith.addi %add3A_21, %mul3A_35 : i32
      "tpu.region"() ({
        %run_scoped3A = tpu.sem_alloc : memref<!tpu.dma_semaphore, #tpu.memory_space<semaphore_mem>>
        %dma_start3A = arith.constant 0 : i32
        %dma_start3A_38 = tpu.memref_slice %arg5[%add3A_36, %dma_start3A] : memref<20480x128xf32, #tpu.memory_space<hbm>> -> memref<128x128xf32, #tpu.memory_space<hbm>>
        %dma_start3A_39 = arith.constant 0 : i32
        %dma_start3A_40 = tpu.memref_slice %arg5[%add3A_36, %dma_start3A_39] : memref<20480x128xf32, #tpu.memory_space<hbm>> -> memref<128x128xf32, #tpu.memory_space<hbm>>
        tpu.enqueue_dma source(%arg7 : memref<128x128xf32, #tpu.memory_space<vmem>>) target(%dma_start3A_40 : memref<128x128xf32, #tpu.memory_space<hbm>>) target_semaphore(%run_scoped3A : memref<!tpu.dma_semaphore, #tpu.memory_space<semaphore_mem>>)
        %dma_wait3A = arith.constant 0 : i32
        %dma_wait3A_41 = tpu.memref_slice %arg5[%add3A_36, %dma_wait3A] : memref<20480x128xf32, #tpu.memory_space<hbm>> -> memref<128x128xf32, #tpu.memory_space<hbm>>
        %dma_wait3A_42 = arith.constant 0 : i32
        %dma_wait3A_43 = tpu.memref_slice %arg5[%add3A_36, %dma_wait3A_42] : memref<20480x128xf32, #tpu.memory_space<hbm>> -> memref<128x128xf32, #tpu.memory_space<hbm>>
        tpu.wait_dma2 semaphore(%run_scoped3A : memref<!tpu.dma_semaphore, #tpu.memory_space<semaphore_mem>>) src(%arg7 : memref<128x128xf32, #tpu.memory_space<vmem>>) dst(%dma_wait3A_43 : memref<128x128xf32, #tpu.memory_space<hbm>>)
        tpu.yield
      }) : () -> ()
      %scan3A_37 = arith.constant 0 : i32
      scf.yield %scan3A_37 : i32
    }
    %scan3A_28 = arith.constant 5 : i32
    return
  }
}

#map = affine_map<(d0, d1) -> (0, 0)>
#map1 = affine_map<(d0, d1) -> (0)>
module attributes {stable_mosaic.version = 14 : i64} {
  func.func @k(%arg0: i32, %arg1: i32, %arg2: memref<323584x128xf32, #tpu.memory_space<hbm>>, %arg3: memref<323584xi32, #tpu.memory_space<hbm>>, %arg4: memref<128x128xf32, #tpu.memory_space<hbm>>, %arg5: memref<20480x128xf32, #tpu.memory_space<hbm>>, %arg6: memref<128xi32, #tpu.memory_space<vmem>>, %arg7: memref<128x128xf32, #tpu.memory_space<vmem>>, %arg8: memref<10240x128xf32, #tpu.memory_space<vmem_shared>>) attributes {dimension_semantics = [#tpu.dimension_semantics<core_parallel>, #tpu.dimension_semantics<subcore_parallel>], iteration_bounds = array<i64: 2, 16>, scalar_prefetch = 0 : i64, scratch_operands = 3 : i64, tpu.core_type = #tpu.core_type<sc_vector_subcore>, window_params = [{transform_indices = #map}, {transform_indices = #map1}, {transform_indices = #map}, {transform_indices = #map}]} {
    %mul3A = arith.constant 640 : i32
    %mul3A_0 = arith.muli %arg1, %mul3A : i32
    "tpu.region"() ({
      %run_scoped3A = tpu.sem_alloc : memref<!tpu.dma_semaphore, #tpu.memory_space<semaphore_mem>>
      tpu.enqueue_dma source(%arg4 : memref<128x128xf32, #tpu.memory_space<hbm>>) target(%arg7 : memref<128x128xf32, #tpu.memory_space<vmem>>) target_semaphore(%run_scoped3A : memref<!tpu.dma_semaphore, #tpu.memory_space<semaphore_mem>>)
      tpu.wait_dma2 semaphore(%run_scoped3A : memref<!tpu.dma_semaphore, #tpu.memory_space<semaphore_mem>>) src(%arg4 : memref<128x128xf32, #tpu.memory_space<hbm>>) dst(%arg7 : memref<128x128xf32, #tpu.memory_space<vmem>>)
      tpu.yield
    }) : () -> ()
    %scan3A = arith.constant 0 : i32
    %scan3A_1 = arith.constant 0 : i32
    %scan3A_2 = arith.constant 5 : i32
    %scan3A_3 = arith.addi %scan3A_1, %scan3A_2 : i32
    %scan3A_4 = arith.constant 1 : i32
    %scan3A_5 = scf.for %scan3A_29 = %scan3A_1 to %scan3A_3 step %scan3A_4 iter_args(%scan3A_30 = %scan3A) -> (i32)  : i32 {
      %mul3A_31 = arith.constant 128 : i32
      %mul3A_32 = arith.muli %scan3A_29, %mul3A_31 : i32
      %add3A_33 = arith.addi %mul3A_0, %mul3A_32 : i32
      "tpu.region"() ({
        %run_scoped3A = tpu.sem_alloc : memref<!tpu.dma_semaphore, #tpu.memory_space<semaphore_mem>>
        %dma_start3A = arith.constant 0 : i32
        %dma_start3A_35 = tpu.memref_slice %arg8[%add3A_33, %dma_start3A] : memref<10240x128xf32, #tpu.memory_space<vmem_shared>> -> memref<128x128xf32, #tpu.memory_space<vmem_shared>>
        %dma_start3A_36 = arith.constant 0 : i32
        %dma_start3A_37 = tpu.memref_slice %arg8[%add3A_33, %dma_start3A_36] : memref<10240x128xf32, #tpu.memory_space<vmem_shared>> -> memref<128x128xf32, #tpu.memory_space<vmem_shared>>
        tpu.enqueue_dma source(%arg7 : memref<128x128xf32, #tpu.memory_space<vmem>>) target(%dma_start3A_37 : memref<128x128xf32, #tpu.memory_space<vmem_shared>>) target_semaphore(%run_scoped3A : memref<!tpu.dma_semaphore, #tpu.memory_space<semaphore_mem>>)
        %dma_wait3A = arith.constant 0 : i32
        %dma_wait3A_38 = tpu.memref_slice %arg8[%add3A_33, %dma_wait3A] : memref<10240x128xf32, #tpu.memory_space<vmem_shared>> -> memref<128x128xf32, #tpu.memory_space<vmem_shared>>
        %dma_wait3A_39 = arith.constant 0 : i32
        %dma_wait3A_40 = tpu.memref_slice %arg8[%add3A_33, %dma_wait3A_39] : memref<10240x128xf32, #tpu.memory_space<vmem_shared>> -> memref<128x128xf32, #tpu.memory_space<vmem_shared>>
        tpu.wait_dma2 semaphore(%run_scoped3A : memref<!tpu.dma_semaphore, #tpu.memory_space<semaphore_mem>>) src(%arg7 : memref<128x128xf32, #tpu.memory_space<vmem>>) dst(%dma_wait3A_40 : memref<128x128xf32, #tpu.memory_space<vmem_shared>>)
        tpu.yield
      }) : () -> ()
      %scan3A_34 = arith.constant 0 : i32
      scf.yield %scan3A_34 : i32
    }
    %scan3A_6 = arith.constant 5 : i32
    %barrier3A = arith.constant 0 : index
    tpu.barrier barrier_id(%barrier3A)
    %mul3A_7 = arith.constant 16 : i32
    %mul3A_8 = arith.muli %arg0, %mul3A_7 : i32
    %add3A = arith.addi %mul3A_8, %arg1 : i32
    %mul3A_9 = arith.constant 10112 : i32
    %mul3A_10 = arith.muli %add3A, %mul3A_9 : i32
    %scan3A_11 = arith.constant 0 : i32
    %scan3A_12 = arith.constant 0 : i32
    %scan3A_13 = arith.constant 79 : i32
    %scan3A_14 = arith.addi %scan3A_12, %scan3A_13 : i32
    %scan3A_15 = arith.constant 1 : i32
    %scan3A_16 = scf.for %scan3A_29 = %scan3A_12 to %scan3A_14 step %scan3A_15 iter_args(%scan3A_30 = %scan3A_11) -> (i32)  : i32 {
      %mul3A_31 = arith.constant 128 : i32
      %mul3A_32 = arith.muli %scan3A_29, %mul3A_31 : i32
      %add3A_33 = arith.addi %mul3A_10, %mul3A_32 : i32
      "tpu.region"() ({
        %run_scoped3A = tpu.sem_alloc : memref<!tpu.dma_semaphore, #tpu.memory_space<semaphore_mem>>
        %dma_start3A = tpu.memref_slice %arg3[%add3A_33] : memref<323584xi32, #tpu.memory_space<hbm>> -> memref<128xi32, #tpu.memory_space<hbm>>
        %dma_start3A_35 = tpu.memref_slice %arg3[%add3A_33] : memref<323584xi32, #tpu.memory_space<hbm>> -> memref<128xi32, #tpu.memory_space<hbm>>
        tpu.enqueue_dma source(%dma_start3A_35 : memref<128xi32, #tpu.memory_space<hbm>>) target(%arg6 : memref<128xi32, #tpu.memory_space<vmem>>) target_semaphore(%run_scoped3A : memref<!tpu.dma_semaphore, #tpu.memory_space<semaphore_mem>>)
        %dma_wait3A = tpu.memref_slice %arg3[%add3A_33] : memref<323584xi32, #tpu.memory_space<hbm>> -> memref<128xi32, #tpu.memory_space<hbm>>
        %dma_wait3A_36 = tpu.memref_slice %arg3[%add3A_33] : memref<323584xi32, #tpu.memory_space<hbm>> -> memref<128xi32, #tpu.memory_space<hbm>>
        tpu.wait_dma2 semaphore(%run_scoped3A : memref<!tpu.dma_semaphore, #tpu.memory_space<semaphore_mem>>) src(%dma_wait3A_36 : memref<128xi32, #tpu.memory_space<hbm>>) dst(%arg6 : memref<128xi32, #tpu.memory_space<vmem>>)
        tpu.yield
      }) : () -> ()
      "tpu.region"() ({
        %run_scoped3A = tpu.sem_alloc : memref<!tpu.dma_semaphore, #tpu.memory_space<semaphore_mem>>
        %dma_start3A = arith.constant 0 : i32
        %dma_start3A_35 = tpu.memref_slice %arg2[%add3A_33, %dma_start3A] : memref<323584x128xf32, #tpu.memory_space<hbm>> -> memref<128x128xf32, #tpu.memory_space<hbm>>
        %dma_start3A_36 = arith.constant 0 : i32
        %dma_start3A_37 = tpu.memref_slice %arg2[%add3A_33, %dma_start3A_36] : memref<323584x128xf32, #tpu.memory_space<hbm>> -> memref<128x128xf32, #tpu.memory_space<hbm>>
        tpu.enqueue_dma source(%dma_start3A_37 : memref<128x128xf32, #tpu.memory_space<hbm>>) target(%arg7 : memref<128x128xf32, #tpu.memory_space<vmem>>) target_semaphore(%run_scoped3A : memref<!tpu.dma_semaphore, #tpu.memory_space<semaphore_mem>>)
        %dma_wait3A = arith.constant 0 : i32
        %dma_wait3A_38 = tpu.memref_slice %arg2[%add3A_33, %dma_wait3A] : memref<323584x128xf32, #tpu.memory_space<hbm>> -> memref<128x128xf32, #tpu.memory_space<hbm>>
        %dma_wait3A_39 = arith.constant 0 : i32
        %dma_wait3A_40 = tpu.memref_slice %arg2[%add3A_33, %dma_wait3A_39] : memref<323584x128xf32, #tpu.memory_space<hbm>> -> memref<128x128xf32, #tpu.memory_space<hbm>>
        tpu.wait_dma2 semaphore(%run_scoped3A : memref<!tpu.dma_semaphore, #tpu.memory_space<semaphore_mem>>) src(%dma_wait3A_40 : memref<128x128xf32, #tpu.memory_space<hbm>>) dst(%arg7 : memref<128x128xf32, #tpu.memory_space<vmem>>)
        tpu.yield
      }) : () -> ()
      "tpu.region"() ({
        %run_scoped3A = tpu.sem_alloc : memref<!tpu.dma_semaphore, #tpu.memory_space<semaphore_mem>>
        %dma_start3A = arith.constant 0 : i32
        %dma_start3A_35 = arith.constant 0 : i32
        %dma_start3A_36 = tpu.memref_slice %arg8[%dma_start3A, %dma_start3A_35] : memref<10240x128xf32, #tpu.memory_space<vmem_shared>> -> memref<10240x128xf32, #tpu.memory_space<vmem_shared>>
        tpu.enqueue_indirect_dma source(%arg7 : memref<128x128xf32, #tpu.memory_space<vmem>>) target(%dma_start3A_36 : memref<10240x128xf32, #tpu.memory_space<vmem_shared>>) offsets(%arg6 : memref<128xi32, #tpu.memory_space<vmem>>) semaphore(%run_scoped3A : memref<!tpu.dma_semaphore, #tpu.memory_space<semaphore_mem>>) {add = true}
        %dma_wait3A = arith.constant 0 : i32
        %dma_wait3A_37 = arith.constant 0 : i32
        %dma_wait3A_38 = tpu.memref_slice %arg8[%dma_wait3A, %dma_wait3A_37] : memref<10240x128xf32, #tpu.memory_space<vmem_shared>> -> memref<10240x128xf32, #tpu.memory_space<vmem_shared>>
        tpu.wait_indirect_dma semaphore(%run_scoped3A : memref<!tpu.dma_semaphore, #tpu.memory_space<semaphore_mem>>) src(%arg7 : memref<128x128xf32, #tpu.memory_space<vmem>>) dst(%dma_wait3A_38 : memref<10240x128xf32, #tpu.memory_space<vmem_shared>>)
        tpu.yield
      }) : () -> ()
      %scan3A_34 = arith.constant 0 : i32
      scf.yield %scan3A_34 : i32
    }
    %scan3A_17 = arith.constant 79 : i32
    %barrier3A_18 = arith.constant 0 : index
    tpu.barrier barrier_id(%barrier3A_18)
    %mul3A_19 = arith.constant 10240 : i32
    %mul3A_20 = arith.muli %arg0, %mul3A_19 : i32
    %add3A_21 = arith.addi %mul3A_20, %mul3A_0 : i32
    %scan3A_22 = arith.constant 0 : i32
    %scan3A_23 = arith.constant 0 : i32
    %scan3A_24 = arith.constant 5 : i32
    %scan3A_25 = arith.addi %scan3A_23, %scan3A_24 : i32
    %scan3A_26 = arith.constant 1 : i32
    %scan3A_27 = scf.for %scan3A_29 = %scan3A_23 to %scan3A_25 step %scan3A_26 iter_args(%scan3A_30 = %scan3A_22) -> (i32)  : i32 {
      %mul3A_31 = arith.constant 128 : i32
      %mul3A_32 = arith.muli %scan3A_29, %mul3A_31 : i32
      %add3A_33 = arith.addi %mul3A_0, %mul3A_32 : i32
      "tpu.region"() ({
        %run_scoped3A = tpu.sem_alloc : memref<!tpu.dma_semaphore, #tpu.memory_space<semaphore_mem>>
        %dma_start3A = arith.constant 0 : i32
        %dma_start3A_38 = tpu.memref_slice %arg8[%add3A_33, %dma_start3A] : memref<10240x128xf32, #tpu.memory_space<vmem_shared>> -> memref<128x128xf32, #tpu.memory_space<vmem_shared>>
        %dma_start3A_39 = arith.constant 0 : i32
        %dma_start3A_40 = tpu.memref_slice %arg8[%add3A_33, %dma_start3A_39] : memref<10240x128xf32, #tpu.memory_space<vmem_shared>> -> memref<128x128xf32, #tpu.memory_space<vmem_shared>>
        tpu.enqueue_dma source(%dma_start3A_40 : memref<128x128xf32, #tpu.memory_space<vmem_shared>>) target(%arg7 : memref<128x128xf32, #tpu.memory_space<vmem>>) target_semaphore(%run_scoped3A : memref<!tpu.dma_semaphore, #tpu.memory_space<semaphore_mem>>)
        %dma_wait3A = arith.constant 0 : i32
        %dma_wait3A_41 = tpu.memref_slice %arg8[%add3A_33, %dma_wait3A] : memref<10240x128xf32, #tpu.memory_space<vmem_shared>> -> memref<128x128xf32, #tpu.memory_space<vmem_shared>>
        %dma_wait3A_42 = arith.constant 0 : i32
        %dma_wait3A_43 = tpu.memref_slice %arg8[%add3A_33, %dma_wait3A_42] : memref<10240x128xf32, #tpu.memory_space<vmem_shared>> -> memref<128x128xf32, #tpu.memory_space<vmem_shared>>
        tpu.wait_dma2 semaphore(%run_scoped3A : memref<!tpu.dma_semaphore, #tpu.memory_space<semaphore_mem>>) src(%dma_wait3A_43 : memref<128x128xf32, #tpu.memory_space<vmem_shared>>) dst(%arg7 : memref<128x128xf32, #tpu.memory_space<vmem>>)
        tpu.yield
      }) : () -> ()
      %mul3A_34 = arith.constant 128 : i32
      %mul3A_35 = arith.muli %scan3A_29, %mul3A_34 : i32
      %add3A_36 = arith.addi %add3A_21, %mul3A_35 : i32
      "tpu.region"() ({
        %run_scoped3A = tpu.sem_alloc : memref<!tpu.dma_semaphore, #tpu.memory_space<semaphore_mem>>
        %dma_start3A = arith.constant 0 : i32
        %dma_start3A_38 = tpu.memref_slice %arg5[%add3A_36, %dma_start3A] : memref<20480x128xf32, #tpu.memory_space<hbm>> -> memref<128x128xf32, #tpu.memory_space<hbm>>
        %dma_start3A_39 = arith.constant 0 : i32
        %dma_start3A_40 = tpu.memref_slice %arg5[%add3A_36, %dma_start3A_39] : memref<20480x128xf32, #tpu.memory_space<hbm>> -> memref<128x128xf32, #tpu.memory_space<hbm>>
        tpu.enqueue_dma source(%arg7 : memref<128x128xf32, #tpu.memory_space<vmem>>) target(%dma_start3A_40 : memref<128x128xf32, #tpu.memory_space<hbm>>) target_semaphore(%run_scoped3A : memref<!tpu.dma_semaphore, #tpu.memory_space<semaphore_mem>>)
        %dma_wait3A = arith.constant 0 : i32
        %dma_wait3A_41 = tpu.memref_slice %arg5[%add3A_36, %dma_wait3A] : memref<20480x128xf32, #tpu.memory_space<hbm>> -> memref<128x128xf32, #tpu.memory_space<hbm>>
        %dma_wait3A_42 = arith.constant 0 : i32
        %dma_wait3A_43 = tpu.memref_slice %arg5[%add3A_36, %dma_wait3A_42] : memref<20480x128xf32, #tpu.memory_space<hbm>> -> memref<128x128xf32, #tpu.memory_space<hbm>>
        tpu.wait_dma2 semaphore(%run_scoped3A : memref<!tpu.dma_semaphore, #tpu.memory_space<semaphore_mem>>) src(%arg7 : memref<128x128xf32, #tpu.memory_space<vmem>>) dst(%dma_wait3A_43 : memref<128x128xf32, #tpu.memory_space<hbm>>)
        tpu.yield
      }) : () -> ()
      %scan3A_37 = arith.constant 0 : i32
      scf.yield %scan3A_37 : i32
    }
    %scan3A_28 = arith.constant 5 : i32
    return
  }
}

module attributes {stable_mosaic.version = 14 : i64} {
  func.func @body(%arg0: i32, %arg1: memref<2048x128xf32, #tpu.memory_space<vmem>>, %arg2: memref<128x128xf32, #tpu.memory_space<vmem>>, %arg3: memref<128x128xf32, #tpu.memory_space<vmem>>, %arg4: memref<2048x128xf32, #tpu.memory_space<vmem>>, %arg5: memref<2048x128xf32, #tpu.memory_space<vmem>>) attributes {dimension_semantics = [#tpu.dimension_semantics<arbitrary>], iteration_bounds = array<i64: 5>, scalar_prefetch = 0 : i64, scratch_operands = 0 : i64, tpu.core_type = #tpu.core_type<tc>, window_params = [{transform_indices = @transform_0, window_bounds = array<i64: 2048, 128>}, {pipeline_mode = #tpu.pipeline_mode<synchronous>, transform_indices = @transform_1, window_bounds = array<i64: 128, 128>}, {pipeline_mode = #tpu.pipeline_mode<synchronous>, transform_indices = @transform_2, window_bounds = array<i64: 128, 128>}, {transform_indices = @transform_3, window_bounds = array<i64: 2048, 128>}, {transform_indices = @transform_4, window_bounds = array<i64: 2048, 128>}]} {
    %get3A = arith.constant 0 : index
    %get3A_0 = arith.constant 0 : index
    %get3A_1 = vector.load %arg1[%get3A, %get3A_0] : memref<2048x128xf32, #tpu.memory_space<vmem>>, vector<2048x128xf32>
    %get3A_2 = arith.constant 0 : index
    %get3A_3 = arith.constant 0 : index
    %get3A_4 = vector.load %arg2[%get3A_2, %get3A_3] : memref<128x128xf32, #tpu.memory_space<vmem>>, vector<128x128xf32>
    %dot_general3A = arith.constant dense<0.000000e+00> : vector<2048x128xf32>
    %dot_general3A_5 = tpu.matmul %get3A_1, %get3A_4, %dot_general3A {dimension_numbers = #tpu.dot_dimension_numbers<[1], [0], [0], [1], [0, 0, 1, 1], [], []>, transpose_lhs_hint = false} : vector<2048x128xf32>, vector<128x128xf32>, vector<2048x128xf32> -> vector<2048x128xf32>
    %swap3A = arith.constant 0 : index
    %swap3A_6 = arith.constant 0 : index
    %swap3A_7 = vector.load %arg4[%swap3A, %swap3A_6] : memref<2048x128xf32, #tpu.memory_space<vmem>>, vector<2048x128xf32>
    tpu.vector_store %arg4[%swap3A, %swap3A_6], %dot_general3A_5 {strides = array<i32>} : memref<2048x128xf32, #tpu.memory_space<vmem>>, vector<2048x128xf32>,
    %get3A_8 = arith.constant 0 : index
    %get3A_9 = arith.constant 0 : index
    %get3A_10 = vector.load %arg3[%get3A_8, %get3A_9] : memref<128x128xf32, #tpu.memory_space<vmem>>, vector<128x128xf32>
    %dot_general3A_11 = arith.constant dense<0.000000e+00> : vector<2048x128xf32>
    %dot_general3A_12 = tpu.matmul %get3A_1, %get3A_10, %dot_general3A_11 {dimension_numbers = #tpu.dot_dimension_numbers<[1], [0], [0], [1], [0, 0, 1, 1], [], []>, transpose_lhs_hint = false} : vector<2048x128xf32>, vector<128x128xf32>, vector<2048x128xf32> -> vector<2048x128xf32>
    %swap3A_13 = arith.constant 0 : index
    %swap3A_14 = arith.constant 0 : index
    %swap3A_15 = vector.load %arg5[%swap3A_13, %swap3A_14] : memref<2048x128xf32, #tpu.memory_space<vmem>>, vector<2048x128xf32>
    tpu.vector_store %arg5[%swap3A_13, %swap3A_14], %dot_general3A_12 {strides = array<i32>} : memref<2048x128xf32, #tpu.memory_space<vmem>>, vector<2048x128xf32>,
    return
  }
  func.func @transform_0(%arg0: i32) -> (i32, i32) {
    %c0_i32 = arith.constant 0 : i32
    %c0_i32_0 = arith.constant 0 : i32
    return %arg0, %c0_i32 : i32, i32
  }
  func.func @transform_1(%arg0: i32) -> (i32, i32) {
    %c0_i32 = arith.constant 0 : i32
    %c0_i32_0 = arith.constant 0 : i32
    %c0_i32_1 = arith.constant 0 : i32
    return %c0_i32, %c0_i32_0 : i32, i32
  }
  func.func @transform_2(%arg0: i32) -> (i32, i32) {
    %c0_i32 = arith.constant 0 : i32
    %c0_i32_0 = arith.constant 0 : i32
    %c0_i32_1 = arith.constant 0 : i32
    return %c0_i32, %c0_i32_0 : i32, i32
  }
  func.func @transform_3(%arg0: i32) -> (i32, i32) {
    %c0_i32 = arith.constant 0 : i32
    %c0_i32_0 = arith.constant 0 : i32
    return %arg0, %c0_i32 : i32, i32
  }
  func.func @transform_4(%arg0: i32) -> (i32, i32) {
    %c0_i32 = arith.constant 0 : i32
    %c0_i32_0 = arith.constant 0 : i32
    return %arg0, %c0_i32 : i32, i32
  }
}

module attributes {stable_mosaic.version = 14 : i64} {
  func.func @body(%arg0: i32, %arg1: memref<1280x128xf32, #tpu.memory_space<vmem>>, %arg2: memref<1280x128xf32, #tpu.memory_space<vmem>>, %arg3: memref<1280x16xf32, #tpu.memory_space<vmem>>, %arg4: memref<16x128xf32, #tpu.memory_space<vmem>>, %arg5: memref<1x128xf32, #tpu.memory_space<vmem>>, %arg6: memref<128x128xf32, #tpu.memory_space<vmem>>, %arg7: memref<1x128xf32, #tpu.memory_space<vmem>>, %arg8: memref<1280x128xf32, #tpu.memory_space<vmem>>) attributes {dimension_semantics = [#tpu.dimension_semantics<arbitrary>], iteration_bounds = array<i64: 252>, scalar_prefetch = 0 : i64, scratch_operands = 0 : i64, tpu.core_type = #tpu.core_type<tc>, window_params = [{transform_indices = @transform_0, window_bounds = array<i64: 1280, 128>}, {transform_indices = @transform_1, window_bounds = array<i64: 1280, 128>}, {transform_indices = @transform_2, window_bounds = array<i64: 1280, 16>}, {pipeline_mode = #tpu.pipeline_mode<synchronous>, transform_indices = @transform_3, window_bounds = array<i64: 16, 128>}, {pipeline_mode = #tpu.pipeline_mode<synchronous>, transform_indices = @transform_4, window_bounds = array<i64: 1, 128>}, {pipeline_mode = #tpu.pipeline_mode<synchronous>, transform_indices = @transform_5, window_bounds = array<i64: 128, 128>}, {pipeline_mode = #tpu.pipeline_mode<synchronous>, transform_indices = @transform_6, window_bounds = array<i64: 1, 128>}, {transform_indices = @transform_7, window_bounds = array<i64: 1280, 128>}]} {
    %get3A = arith.constant 0 : index
    %get3A_0 = arith.constant 0 : index
    %get3A_1 = vector.load %arg1[%get3A, %get3A_0] : memref<1280x128xf32, #tpu.memory_space<vmem>>, vector<1280x128xf32>
    %get3A_2 = arith.constant 0 : index
    %get3A_3 = arith.constant 0 : index
    %get3A_4 = vector.load %arg2[%get3A_2, %get3A_3] : memref<1280x128xf32, #tpu.memory_space<vmem>>, vector<1280x128xf32>
    %add3A = arith.addf %get3A_1, %get3A_4 : vector<1280x128xf32>
    %get3A_5 = arith.constant 0 : index
    %get3A_6 = arith.constant 0 : index
    %get3A_7 = vector.load %arg5[%get3A_5, %get3A_6] : memref<1x128xf32, #tpu.memory_space<vmem>>, vector<1x128xf32>
    %add3A_8 = vector.broadcast %get3A_7 : vector<1x128xf32> to vector<1280x128xf32>
    %add3A_9 = arith.addf %add3A, %add3A_8 : vector<1280x128xf32>
    %get3A_10 = arith.constant 0 : index
    %get3A_11 = arith.constant 0 : index
    %get3A_12 = vector.load %arg3[%get3A_10, %get3A_11] : memref<1280x16xf32, #tpu.memory_space<vmem>>, vector<1280x16xf32>
    %get3A_13 = arith.constant 0 : index
    %get3A_14 = arith.constant 0 : index
    %get3A_15 = vector.load %arg4[%get3A_13, %get3A_14] : memref<16x128xf32, #tpu.memory_space<vmem>>, vector<16x128xf32>
    %dot_general3A = arith.constant dense<0.000000e+00> : vector<1280x128xf32>
    %dot_general3A_16 = tpu.matmul %get3A_12, %get3A_15, %dot_general3A {dimension_numbers = #tpu.dot_dimension_numbers<[1], [0], [0], [1], [0, 0, 1, 1], [], []>, transpose_lhs_hint = false} : vector<1280x16xf32>, vector<16x128xf32>, vector<1280x128xf32> -> vector<1280x128xf32>
    %add3A_17 = arith.addf %add3A_9, %dot_general3A_16 : vector<1280x128xf32>
    %max3A = arith.constant 0.000000e+00 : f32
    %max3A_18 = vector.broadcast %max3A : f32 to vector<1280x128xf32>
    %max3A_19 = arith.maximumf %add3A_17, %max3A_18 : vector<1280x128xf32>
    %get3A_20 = arith.constant 0 : index
    %get3A_21 = arith.constant 0 : index
    %get3A_22 = vector.load %arg6[%get3A_20, %get3A_21] : memref<128x128xf32, #tpu.memory_space<vmem>>, vector<128x128xf32>
    %dot_general3A_23 = arith.constant dense<0.000000e+00> : vector<1280x128xf32>
    %dot_general3A_24 = tpu.matmul %max3A_19, %get3A_22, %dot_general3A_23 {dimension_numbers = #tpu.dot_dimension_numbers<[1], [0], [0], [1], [0, 0, 1, 1], [], []>, transpose_lhs_hint = false} : vector<1280x128xf32>, vector<128x128xf32>, vector<1280x128xf32> -> vector<1280x128xf32>
    %get3A_25 = arith.constant 0 : index
    %get3A_26 = arith.constant 0 : index
    %get3A_27 = vector.load %arg7[%get3A_25, %get3A_26] : memref<1x128xf32, #tpu.memory_space<vmem>>, vector<1x128xf32>
    %add3A_28 = vector.broadcast %get3A_27 : vector<1x128xf32> to vector<1280x128xf32>
    %add3A_29 = arith.addf %dot_general3A_24, %add3A_28 : vector<1280x128xf32>
    %swap3A = arith.constant 0 : index
    %swap3A_30 = arith.constant 0 : index
    %swap3A_31 = vector.load %arg8[%swap3A, %swap3A_30] : memref<1280x128xf32, #tpu.memory_space<vmem>>, vector<1280x128xf32>
    tpu.vector_store %arg8[%swap3A, %swap3A_30], %add3A_29 {strides = array<i32>} : memref<1280x128xf32, #tpu.memory_space<vmem>>, vector<1280x128xf32>,
    return
  }
  func.func @transform_0(%arg0: i32) -> (i32, i32) {
    %c0_i32 = arith.constant 0 : i32
    %c0_i32_0 = arith.constant 0 : i32
    return %arg0, %c0_i32 : i32, i32
  }
  func.func @transform_1(%arg0: i32) -> (i32, i32) {
    %c0_i32 = arith.constant 0 : i32
    %c0_i32_0 = arith.constant 0 : i32
    return %arg0, %c0_i32 : i32, i32
  }
  func.func @transform_2(%arg0: i32) -> (i32, i32) {
    %c0_i32 = arith.constant 0 : i32
    %c0_i32_0 = arith.constant 0 : i32
    return %arg0, %c0_i32 : i32, i32
  }
  func.func @transform_3(%arg0: i32) -> (i32, i32) {
    %c0_i32 = arith.constant 0 : i32
    %c0_i32_0 = arith.constant 0 : i32
    %c0_i32_1 = arith.constant 0 : i32
    return %c0_i32, %c0_i32_0 : i32, i32
  }
  func.func @transform_4(%arg0: i32) -> (i32, i32) {
    %c0_i32 = arith.constant 0 : i32
    %c0_i32_0 = arith.constant 0 : i32
    %c0_i32_1 = arith.constant 0 : i32
    return %c0_i32, %c0_i32_0 : i32, i32
  }
  func.func @transform_5(%arg0: i32) -> (i32, i32) {
    %c0_i32 = arith.constant 0 : i32
    %c0_i32_0 = arith.constant 0 : i32
    %c0_i32_1 = arith.constant 0 : i32
    return %c0_i32, %c0_i32_0 : i32, i32
  }
  func.func @transform_6(%arg0: i32) -> (i32, i32) {
    %c0_i32 = arith.constant 0 : i32
    %c0_i32_0 = arith.constant 0 : i32
    %c0_i32_1 = arith.constant 0 : i32
    return %c0_i32, %c0_i32_0 : i32, i32
  }
  func.func @transform_7(%arg0: i32) -> (i32, i32) {
    %c0_i32 = arith.constant 0 : i32
    %c0_i32_0 = arith.constant 0 : i32
    return %arg0, %c0_i32 : i32, i32
  }
}

module attributes {stable_mosaic.version = 14 : i64} {
  func.func @body(%arg0: i32, %arg1: memref<2000x128xf32, #tpu.memory_space<vmem>>, %arg2: memref<2000x128xf32, #tpu.memory_space<vmem>>, %arg3: memref<2000x128xf32, #tpu.memory_space<vmem>>, %arg4: memref<2000x128xf32, #tpu.memory_space<vmem>>, %arg5: memref<2000x128xf32, #tpu.memory_space<vmem>>) attributes {dimension_semantics = [#tpu.dimension_semantics<arbitrary>], iteration_bounds = array<i64: 5>, scalar_prefetch = 0 : i64, scratch_operands = 0 : i64, tpu.core_type = #tpu.core_type<tc>, window_params = [{transform_indices = @transform_0, window_bounds = array<i64: 2000, 128>}, {transform_indices = @transform_1, window_bounds = array<i64: 2000, 128>}, {transform_indices = @transform_2, window_bounds = array<i64: 2000, 128>}, {transform_indices = @transform_3, window_bounds = array<i64: 2000, 128>}, {transform_indices = @transform_4, window_bounds = array<i64: 2000, 128>}]} {
    %get3A = arith.constant 0 : index
    %get3A_0 = arith.constant 0 : index
    %get3A_1 = vector.load %arg3[%get3A, %get3A_0] : memref<2000x128xf32, #tpu.memory_space<vmem>>, vector<2000x128xf32>
    %slice3A = vector.extract_strided_slice %get3A_1 {offsets = [0, 0], sizes = [2000, 1], strides = [1, 1]} : vector<2000x128xf32> to vector<2000x1xf32>
    %get3A_2 = arith.constant 0 : index
    %get3A_3 = arith.constant 0 : index
    %get3A_4 = vector.load %arg4[%get3A_2, %get3A_3] : memref<2000x128xf32, #tpu.memory_space<vmem>>, vector<2000x128xf32>
    %slice3A_5 = vector.extract_strided_slice %get3A_4 {offsets = [0, 0], sizes = [2000, 1], strides = [1, 1]} : vector<2000x128xf32> to vector<2000x1xf32>
    %add3A = arith.addf %slice3A, %slice3A_5 : vector<2000x1xf32>
    %get3A_6 = arith.constant 0 : index
    %get3A_7 = arith.constant 0 : index
    %get3A_8 = vector.load %arg1[%get3A_6, %get3A_7] : memref<2000x128xf32, #tpu.memory_space<vmem>>, vector<2000x128xf32>
    %get3A_9 = arith.constant 0 : index
    %get3A_10 = arith.constant 0 : index
    %get3A_11 = vector.load %arg2[%get3A_9, %get3A_10] : memref<2000x128xf32, #tpu.memory_space<vmem>>, vector<2000x128xf32>
    %add3A_12 = arith.addf %get3A_8, %get3A_11 : vector<2000x128xf32>
    %max3A = arith.constant 1.000000e+00 : f32
    %max3A_13 = vector.broadcast %max3A : f32 to vector<2000x1xf32>
    %max3A_14 = arith.maximumf %add3A, %max3A_13 : vector<2000x1xf32>
    %div3A = vector.broadcast %max3A_14 : vector<2000x1xf32> to vector<2000x128xf32>
    %div3A_15 = arith.divf %add3A_12, %div3A : vector<2000x128xf32>
    %swap3A = arith.constant 0 : index
    %swap3A_16 = arith.constant 0 : index
    %swap3A_17 = vector.load %arg5[%swap3A, %swap3A_16] : memref<2000x128xf32, #tpu.memory_space<vmem>>, vector<2000x128xf32>
    tpu.vector_store %arg5[%swap3A, %swap3A_16], %div3A_15 {strides = array<i32>} : memref<2000x128xf32, #tpu.memory_space<vmem>>, vector<2000x128xf32>,
    return
  }
  func.func @transform_0(%arg0: i32) -> (i32, i32) {
    %c0_i32 = arith.constant 0 : i32
    %c0_i32_0 = arith.constant 0 : i32
    return %arg0, %c0_i32 : i32, i32
  }
  func.func @transform_1(%arg0: i32) -> (i32, i32) {
    %c0_i32 = arith.constant 0 : i32
    %c0_i32_0 = arith.constant 0 : i32
    return %arg0, %c0_i32 : i32, i32
  }
  func.func @transform_2(%arg0: i32) -> (i32, i32) {
    %c0_i32 = arith.constant 0 : i32
    %c0_i32_0 = arith.constant 0 : i32
    return %arg0, %c0_i32 : i32, i32
  }
  func.func @transform_3(%arg0: i32) -> (i32, i32) {
    %c0_i32 = arith.constant 0 : i32
    %c0_i32_0 = arith.constant 0 : i32
    return %arg0, %c0_i32 : i32, i32
  }
  func.func @transform_4(%arg0: i32) -> (i32, i32) {
    %c0_i32 = arith.constant 0 : i32
    %c0_i32_0 = arith.constant 0 : i32
    return %arg0, %c0_i32 : i32, i32
  }
}

</mosaic_0001>

<sc_bundles>
// kernel: kernel.11.cloned.1.call-start
scs
__scs_entry_jumppad:
0x0: {  	(pc) =	sbr.rel $0x88, $3  }
0x1: {  	(tag) =	ssettag $0x0;
	lr =	simm.s32 $0x1  }
0x2: {  	[smem:$0x3F9A] =	sst lr;
	_ =	strace $0xD0000000  }
0x3: {  	_ = 	snop  }
0x4: {  	_ = 	snop  }
0x5: {  	_ = 	snop  }
0x6: {  	_ = 	snop  }
0x7: {  	_ = 	snop  }
__scs_overlays_trampoline_lowered:
0x8: {  	[smem:$0x3FA9] =	sst s0  }
0x9: {  	[smem:$0x3FAA] =	sst s1  }
0xa: {  	[smem:$0x3FAB] =	sst s2  }
0xb: {  	[smem:$0x3FAC] =	sst s3  }
0xc: {  	[smem:$0x3FAD] =	sst s4  }
0xd: {  	[smem:$0x3FAE] =	sst s5  }
0xe: {  	[smem:$0x3FAF] =	sst s6  }
0xf: {  	[smem:$0x3FB0] =	sst s7  }
0x10: {  	[smem:$0x3FB1] =	sst s8  }
0x11: {  	[smem:$0x3FB2] =	sst s9;
	s0 =	simm.s32 @!p0 $0x0  }
0x12: {  	s1 =	sld [smem:$0x3F98];
	s0 =	simm.s32 @p0 $0x1  }
0x13: {  	[smem:$0x3FB3] =	sst s0;
	s0 =	simm.s32 @!p1 $0x0  }
0x14: {  	s2 =	sld [smem:$0x3F97];
	s0 =	simm.s32 @p1 $0x1  }
0x15: {  	[smem:$0x3FB4] =	sst s0;
	s0 =	simm.s32 @!p2 $0x0  }
0x16: {  	s3 =	sld [smem:$0x3FDB];
	s0 =	simm.s32 @p2 $0x1  }
0x17: {  	s4 =	simm.s32 $0x1BF5;
	[smem:$0x3FB6] =	sst s0  }
0x18: {  	s0 =	sld [smem:$0x3F99];
	_ =	swait.ge [sflag:s4], $0x0  }
0x19: {  	s7 =	sld [smem:$0x3F9A]  }
0x1a: {  	s8 =	sadd.s32 $0xFFFFE003, lr  }
0x1b: {  	s9 =	sadd.s32 $0xFFFFFEF7, lr;
	s5 =	simm.s32 $0xFFFFFFFF;
	p2 =	slt.u32 s8, $0xFFFFF086  }
0x1c: {  	p1 =	slt.u32 s9, $0xF7A;
	s5 =	simm.s32 @!p2 $0x0  }
0x1d: {  	s5 =	simm.s32 @p1 $0x1;
	p0 =	seq.s32 s7, s2  }
0x1e: {  	s7 =	smul.u32 @!p0 $0xF7A, s2;
	p2 =	seq.s32 @!p0 s5, $0x0  }
0x1f: {  	s9 =	smul.u32 $0xF7A, s1;
	s8 =	simm.s32 @!p0 $0x1BF5;
	p2 =	por !p2, p0  }
0x20: {  	[sflag:s8] =	ssyncset.s32 @!p0 $0xFFFFF086;
	s6 =	sadd.s32 @!p0 s3, s7;
	s7 =	simm.s32 @!p0 $0x108  }
0x21: {  	s3 =	sadd.s32 s3, s9;
	s6 =	sadd.s32 @!p0 $0x88, s6;
	s7 =	simm.s32 @p2 $0x1082  }
0x22: {  	[simem:s7], [sflag:s8] =	dma.local @!p0 [hbm:s6], $0xF7A  }
0x23: {  	s9 =	sor.u32 $0xD0000000, s2;
	s6 =	simm.s32 $0x108;
	_ =	swait.ge @!p0 [sflag:s8], $0x0  }
0x24: {  	s3 =	sadd.s32 $0x88, s3;
	s6 =	simm.s32 @!p1 $0x1082;
	[sflag:s4] =	ssyncset.s32 $0xFFFFF086  }
0x25: {  	[simem:s6], [sflag:s4] =	dma.local [hbm:s3], $0xF7A  }
0x26: {  	[smem:$0x3F9A] =	sst s1;
	(tag) =	ssettag s2;
	_ =	strace s9  }
0x27: {  	s1 =	sld [smem:$0x3FAA]  }
0x28: {  	s2 =	sld [smem:$0x3FAB]  }
0x29: {  	s4 =	sld [smem:$0x3FAD]  }
0x2a: {  	p0 =	seq.s32 s5, $0x0;
	s5 =	sld [smem:$0x3FAE]  }
0x2b: {  	s6 =	sld [smem:$0x3FAF]  }
0x2c: {  	s7 =	sld [smem:$0x3FB0]  }
0x2d: {  	s3 =	simm.s32 $0x108;
	s8 =	sld [smem:$0x3FB1]  }
0x2e: {  	s3 =	simm.s32 @!p0 $0x1082;
	s9 =	sld [smem:$0x3FB2]  }
0x2f: {  	lr =	sadd.s32 s0, s3;
	s0 =	sld [smem:$0x3FA9]  }
0x30: {  	s3 =	sld [smem:$0x3FAC]  }
0x31: {  	[smem:$0x3FB5] =	sst s10  }
0x32: {  	s10 =	sld [smem:$0x3FB3];
	_ =	sdelay $0x3  }
0x33: {  	p0 =	seq.s32 s10, $0x1;
	s10 =	sld [smem:$0x3FB5];
	_ =	sdelay $0x3  }
0x34: {  	[smem:$0x3FB5] =	sst s10  }
0x35: {  	s10 =	sld [smem:$0x3FB4];
	_ =	sdelay $0x3  }
0x36: {  	p1 =	seq.s32 s10, $0x1;
	s10 =	sld [smem:$0x3FB5];
	_ =	sdelay $0x3  }
0x37: {  	[smem:$0x3FB5] =	sst s10  }
0x38: {  	s10 =	sld [smem:$0x3FB6]  }
0x39: {  	_ = 	snop;
	(pc) =	sbr.ind lr, $3  }
0x3a: {  	_ = 	snop  }
0x3b: {  	_ = 	snop  }
0x3c: {  	p2 =	seq.s32 s10, $0x1;
	s10 =	sld [smem:$0x3FB5]  }
0x3d: {  	_ =	shalt  }
0x3e: {  	_ =	shalt  }
0x3f: {  	_ =	shalt  }
0x40: {  	_ =	shalt  }
0x41: {  	_ =	shalt  }
0x42: {  	_ =	shalt  }
0x43: {  	_ =	shalt  }
0x44: {  	_ =	shalt  }
0x45: {  	_ =	shalt  }
0x46: {  	_ =	shalt  }
0x47: {  	_ =	shalt  }
0x48: {  	_ =	shalt  }
0x49: {  	_ =	shalt  }
0x4a: {  	_ =	shalt  }
0x4b: {  	_ =	shalt  }
0x4c: {  	_ =	shalt  }
0x4d: {  	_ =	shalt  }
0x4e: {  	_ =	shalt  }
0x4f: {  	_ =	shalt  }
0x50: {  	_ =	shalt  }
0x51: {  	_ =	shalt  }
0x52: {  	_ =	shalt  }
0x53: {  	_ =	shalt  }
0x54: {  	_ =	shalt  }
0x55: {  	_ =	shalt  }
0x56: {  	_ =	shalt  }
0x57: {  	_ =	shalt  }
0x58: {  	_ =	shalt  }
0x59: {  	_ =	shalt  }
0x5a: {  	_ =	shalt  }
0x5b: {  	_ =	shalt  }
0x5c: {  	_ =	shalt  }
0x5d: {  	_ =	shalt  }
0x5e: {  	_ =	shalt  }
0x5f: {  	_ =	shalt  }
0x60: {  	_ =	shalt  }
0x61: {  	_ =	shalt  }
0x62: {  	_ =	shalt  }
0x63: {  	_ =	shalt  }
0x64: {  	_ =	shalt  }
0x65: {  	_ =	shalt  }
0x66: {  	_ =	shalt  }
0x67: {  	_ =	shalt  }
0x68: {  	_ =	shalt  }
0x69: {  	_ =	shalt  }
0x6a: {  	_ =	shalt  }
0x6b: {  	_ =	shalt  }
0x6c: {  	_ =	shalt  }
0x6d: {  	_ =	shalt  }
0x6e: {  	_ =	shalt  }
0x6f: {  	_ =	shalt  }
0x70: {  	_ =	shalt  }
0x71: {  	_ =	shalt  }
0x72: {  	_ =	shalt  }
0x73: {  	_ =	shalt  }
0x74: {  	_ =	shalt  }
0x75: {  	_ =	shalt  }
0x76: {  	_ =	shalt  }
0x77: {  	_ =	shalt  }
0x78: {  	_ =	shalt  }
0x79: {  	_ =	shalt  }
0x7a: {  	_ =	shalt  }
0x7b: {  	_ =	shalt  }
0x7c: {  	_ =	shalt  }
0x7d: {  	_ =	shalt  }
0x7e: {  	_ =	shalt  }
0x7f: {  	_ =	shalt  }
0x80: {  	_ =	shalt  }
0x81: {  	_ =	shalt  }
0x82: {  	_ =	shalt  }
0x83: {  	_ =	shalt  }
0x84: {  	_ =	shalt  }
0x85: {  	_ =	shalt  }
0x86: {  	_ =	shalt  }
0x87: {  	_ =	shalt  }
.Lfunc_end0:
.L_simem_size_0:
called_computation.1_lowered:
.L_overlay_start_0:
0x88: {  	s2 =	sld [smem:$0x3FD9]  }
0x89: {  	s3 =	sld [smem:$0x3FFE];
	_ =	sdelay $0x1  }
0x8a: {  	s1 =	srdreg.scid  }
0x8b: {  	s0 =	sand.u32 $0x1, s1  }
0x8c: {  	s15 =	sshll.u32 s0, $0xA;
	s2 =	sadd.s32 s3, s2  }
0x8d: {  	s2 =	sadd.s32 s2, s15  }
0x8e: {  	[smem:$0x3FC1] =	sst s2  }
0x8f: {  	_ = 	snop  }
0x90: {  	s2 =	sld [smem:$0x3FD0];
	_ =	sdelay $0x2  }
0x91: {  	s16 =	simm.s32 $0xB;
	s4 =	simm.s32 $0x10  }
0x92: {  	[smem:s4], [sflag:s16] =	dma.local [hbm:s2], $0x1  }
0x93: {  	_ =	swait.eq [sflag:s16], $0x1  }
0x94: {  	[sflag:s16] =	ssyncset.done $0x0  }
0x95: {  	[sflag:s16] =	ssyncadd.s32 $0xFFFFFFFF  }
0x96: {  	s17 =	sld [smem:$0x10];
	(tm) =	ssettm $0x1  }
0x97: {  	s18 =	sld [smem:$0x3FFB];
	_ =	sdelay $0x3  }
0x98: {  	_ =	strace s18  }
0x99: {  	s2 =	sld [smem:$0x3FFC];
	_ =	sdelay $0x3  }
0x9a: {  	_ =	strace s2  }
0x9b: {  	s2 =	sld [smem:$0x3FFD];
	_ =	sdelay $0x3  }
0x9c: {  	_ =	strace s2  }
0x9d: {  	_ =	strace $0x8FFFFFFF  }
0x9e: {  	s19 =	sld [smem:$0x3FDB];
	_ =	sdelay $0x1  }
0x9f: {  	s20 =	simm.s32 $_scs_section_size  }
0xa0: {  	s5 =	simm.s32 $_size__tile_overlayer_lowered;
	s6 =	simm.s32 $_tile_overlayer_lowered  }
0xa1: {  	s7 =	simm.s32 $0x1BFF;
	s21 =	sshll.u32 s6, $0x1;
	s4 =	sadd.s32 s20, s19  }
0xa2: {  	s22 =	simm.s32 $0x0;
	s5 =	sshll.u32 s5, $0x1;
	s6 =	sadd.s32 s21, s4  }
0xa3: {  	[timem:s22], [sflag:s7] =	dma.local [hbm:s6], s5  }
0xa4: {  	_ =	swait.ge [sflag:s7], s5  }
0xa5: {  	s5 =	ssub.s32 $0x0, s5;
	[sflag:s7] =	ssyncset.done $0x0  }
0xa6: {  	[sflag:s7] =	ssyncadd.s32 s5;
	_ =	sdelay $0x1  }
0xa7: {  	s23 =	simm.s32 $0x1B8B  }
0xa8: {  	_ =	swait.ge [sflag:s23], $0x1  }
0xa9: {  	[sflag:s23] =	ssyncset.done $0x0  }
0xaa: {  	[sflag:s23] =	ssyncadd.s32 $0xFFFFFFFF  }
0xab: {  	s5 =	sld [smem:$0x0]  }
0xac: {  	s6 =	sand.u32 $0xFFFFFFFE, s1  }
0xad: {  	p0 =	sne.s32 s1, s6  }
0xae: {  	s6 =	sshll.u32 @p0 s6, $0xE  }
0xaf: {  	s6 =	sadd.s32 @p0 $0x11B8D, s6;
	s7 =	sshll.u32 @p0 s5, $0x11  }
0xb0: {  	s6 =	sor.u32 @p0 s7, s6  }
0xb1: {  	[sflag:s6] =	ssyncadd.remote.s32 @p0 $0x1;
	_ =	sdelay $0x1  }
0xb2: {  	s6 =	simm.s32 @p0 $0x1B8D  }
0xb3: {  	_ =	swait.eq @p0 [sflag:s6], $0x1  }
0xb4: {  	[sflag:s6] =	ssyncadd.s32 @p0 $0xFFFFFFFF  }
0xb5: {  	s7 =	sshll.u32 @!p0 s1, $0xE  }
0xb6: {  	s7 =	sor.u32 @!p0 $0x4000, s7;
	s6 =	simm.s32 @!p0 $0x1B8D  }
0xb7: {  	s5 =	sshll.u32 @!p0 s5, $0x11;
	s7 =	sadd.s32 @!p0 $0x11B8D, s7;
	_ =	swait.eq @!p0 [sflag:s6], $0x1  }
0xb8: {  	s5 =	sor.u32 @!p0 s5, s7;
	[sflag:s6] =	ssyncadd.s32 @!p0 $0xFFFFFFFF  }
0xb9: {  	s25 =	simm.s32 $0x1B8E;
	s24 =	sld [smem:$0x3FFE];
	[sflag:s5] =	ssyncadd.remote.s32 @!p0 $0x1  }
0xba: {  	s26 =	simm.s32 $execute0_lowered;
	[smem:$0x3FD2] =	sst s25  }
0xbb: {  	s6 =	sshll.u32 s26, $0x1;
	_ =	strace $0x80000049;
	[dreg:$0x1] =	wrdreg $0xFFFFFFFF  }
0xbc: {  	s28 =	simm.s32 $_size_execute0_lowered;
	s4 =	sadd.s32 s4, s6;
	[dreg:$0x0] =	wrdreg $0x0  }
0xbd: {  	s6 =	sshll.u32 s28, $0x1;
	[dreg:$0x2] =	wrdreg s4  }
0xbe: {  	[dreg:$0x3] =	wrdreg s6  }
0xbf: {  	[dreg:$0x4] =	wrdreg $0xC0  }
0xc0: {  	_ =	task [dreg:s22], $0x5FFFF  }
0xc1: {  	[dreg:$0x1] =	wrdreg $0xFFFFFFFF  }
0xc2: {  	[dreg:$0x0] =	wrdreg $0x60  }
0xc3: {  	[dreg:$0x2] =	wrdreg s17  }
0xc4: {  	[dreg:$0x3] =	wrdreg s24  }
0xc5: {  	[dreg:$0x4] =	wrdreg $0x80800  }
0xc6: {  	[dreg:$0x5] =	wrdreg $0x9  }
0xc7: {  	_ =	task.clear_ibuf [dreg:s22], $0x6FFFF;
	_ =	strace $0x90000049  }
0xc8: {  	s29 =	simm.s32 $0x9;
	_ =	strace $0x8000004B  }
0xc9: {  	_ =	swait.ge [sflag:s29], $0x1  }
0xca: {  	[sflag:s29] =	ssyncadd.s32 $0xFFFFFFFF  }
0xcb: {  	_ =	strace $0x9000004B  }
0xcc: {  	_ =	sfence  }
0xcd: {  	s30 =	sld [smem:$0x0];
	_ =	sdelay $0x2  }
0xce: {  	s31 =	sshll.u32 s1, $0xD;
	s1 =	sshrl.u32 s1, $0x2  }
0xcf: {  	s4 =	sand.u32 $0x4000, s31;
	s1 =	sadd.s32 s1, s30  }
0xd0: {  	s0 =	sor.u32 s4, s0;
	s1 =	sshll.u32 s1, $0x11  }
0xd1: {  	s0 =	sor.u32 s1, s0  }
0xd2: {  	s0 =	sadd.s32 $0x8F2B, s0  }
0xd3: {  	[sflag:s0] =	ssyncadd.remote.s32 $0x1  }
0xd4: {  	_ =	sfence.sel $0xFFFF  }
0xd5: {  	[dreg:$0x0] =	wrdreg $0xFFFFFFFF;
	(pc) =	sbr.abs _section_cstart, $3  }
0xd6: {  	[dreg:$0x1] =	wrdreg $0xFFFFFFFF  }
0xd7: {  	_ =	task.clear_ibuf [dreg:s22], $0x2FFFF;
	_ =	strace $0x9FFFFFFF  }
0xd8: {  	(tm) =	ssettm $0x7FFFFFFF  }
0xd9: {  	_ =	shalt  }
tec
execute0_lowered:
.L_overlay_start_1:
0x0: {  	(tag) =	ssettag $0x1  }
0x1: {  	s16 =	rddreg [dreg:$0x0]  }
0x2: {  	s6 =	rddreg [dreg:$0x1]  }
0x3: {  	s2 =	rddreg [dreg:$0x2]  }
0x4: {  	s0 =	rddreg [dreg:$0x3];
	s1 =	stileid.u32  }
0x5: {  	s3 =	simm.s32 $0x0;
	s4 =	srdreg.scid;
	s7 =	smul.u32 $0x280, s1  }
0x6: {  	s20 =	simm.s32 $0x4080;
	s12 =	sand.u32 $0x1, s4;
	s9 =	smul.u32 $0x50000, s1  }
0x7: {  	s21 =	simm.s32 $0x0;
	s4 =	sadd.s32 $0xA3D200, s6;
	s8 =	smul.u32 $0x2800, s12  }
0x8: {  	[smem:$0x7FF] =	sst s3;
	s5 =	sadd.s32 $0xA3DA00, s6;
	s19 =	smul.u32 $0x4F0, s1  }
0x9: {  	_ =	strace $0x8000004A;
	s30 =	ssub.s32 $0x2, s12;
	s7 =	sadd.s32 s7, s8  }
0xa: {  	s18 =	smul.u32 $0x4F00, s12;
	s9 =	sshrl.u32 s9, $0x2;
	s7 =	sshll.u32 s7, $0x4  }
0xb: {  	s10 =	sshrl.u32 s30, $0x1;
	s17 =	sadd.s32 s7, s6;
	s6 =	sadd.s32 s9, s2  }
0xc: {  	s31 =	ssub.s32 s30, s10;
	s8 =	sadd.s32 $0x4000, s6;
	s9 =	sadd.s32 $0x8000, s6  }
0xd: {  	s10 =	sadd.s32 $0xC000, s6;
	s11 =	sadd.s32 $0xA3E200, s17;
	s12 =	sadd.s32 $0x10000, s6  }
0xe: {  	s18 =	sadd.s32 s18, s16;
	s13 =	sadd.s32 $0xA3EA00, s17;
	s14 =	sadd.s32 $0xA3F200, s17  }
0xf: {  	s7 =	smax.u32 s31, $0x1;
	s15 =	sadd.s32 $0xA3FA00, s17;
	s16 =	sadd.s32 $0xA40200, s17  }
0x10: {  	s17 =	sadd.s32 s19, s18;
	s18 =	simm.s32 $0x80;
	s19 =	simm.s32 $0x1  }
.LBB2_1:
0x11: {  	[tilespmem:s18], [sflag:$0x1] =	stream.linear.gather [hbm4b:s4+s3], $0x4000, $0x38;
	[tilespmem:$0x1C080] =	vst v63  }
0x12: {  	_ =	swait.ge [sflag:s19], $0x4000  }
0x13: {  	[sflag:s19] =	ssyncset.done $0x0  }
0x14: {  	[sflag:s19] =	ssyncadd.s32 $0xFFFFC000  }
0x15: {  	[spmem:s6] =	stream.linear.scatter [tilespmem:s18], [sflag:$0x1], $0x4000, $0x38;
	[tilespmem:$0x1C080] =	vst v63  }
0x16: {  	_ =	swait.ge [sflag:s19], $0x4000  }
0x17: {  	[sflag:s19] =	ssyncset.done $0x0  }
0x18: {  	[sflag:s19] =	ssyncadd.s32 $0xFFFFC000  }
0x19: {  	[spmem:s8] =	stream.linear.scatter [tilespmem:s18], [sflag:$0x1], $0x4000, $0x38;
	[tilespmem:$0x1C080] =	vst v63  }
0x1a: {  	_ =	swait.ge [sflag:s19], $0x4000  }
0x1b: {  	[sflag:s19] =	ssyncset.done $0x0  }
0x1c: {  	[sflag:s19] =	ssyncadd.s32 $0xFFFFC000  }
0x1d: {  	[spmem:s9] =	stream.linear.scatter [tilespmem:s18], [sflag:$0x1], $0x4000, $0x38;
	[tilespmem:$0x1C080] =	vst v63  }
0x1e: {  	_ =	swait.ge [sflag:s19], $0x4000  }
0x1f: {  	[sflag:s19] =	ssyncset.done $0x0  }
0x20: {  	[sflag:s19] =	ssyncadd.s32 $0xFFFFC000  }
0x21: {  	[spmem:s10] =	stream.linear.scatter [tilespmem:s18], [sflag:$0x1], $0x4000, $0x38;
	[tilespmem:$0x1C080] =	vst v63  }
0x22: {  	_ =	swait.ge [sflag:s19], $0x4000  }
0x23: {  	[sflag:s19] =	ssyncset.done $0x0  }
0x24: {  	[sflag:s19] =	ssyncadd.s32 $0xFFFFC000  }
0x25: {  	[spmem:s12] =	stream.linear.scatter [tilespmem:s18], [sflag:$0x1], $0x4000, $0x38;
	[tilespmem:$0x1C080] =	vst v63  }
0x26: {  	_ =	swait.ge [sflag:s19], $0x4000  }
0x27: {  	[sflag:s19] =	ssyncset.done $0x0  }
0x28: {  	[sflag:s19] =	ssyncadd.s32 $0xFFFFC000  }
0x29: {  	[tilespmem:s20], [sflag:$0x1] =	stream.linear.gather [hbm4b:s5+s3], $0x4000, $0x38;
	[tilespmem:$0x1C080] =	vst v63  }
0x2a: {  	_ =	swait.ge [sflag:s19], $0x4000  }
0x2b: {  	[sflag:s19] =	ssyncset.done $0x0  }
0x2c: {  	[sflag:s19] =	ssyncadd.s32 $0xFFFFC000  }
0x2d: {  	s22 =	sadd.s32 $0x0, s17;
	[bflag:$0x0] =	sbarrier.arrive $0xFFFF  }
0x2e: {  	[tilespmem:s3], [sflag:$0x1] =	stream.linear.gather [hbm4b:s22+s3], $0x80, $0x38;
	[tilespmem:$0x1C080] =	vst v63  }
0x2f: {  	_ =	swait.ge [sflag:s19], $0x80  }
0x30: {  	[sflag:s19] =	ssyncset.done $0x0  }
0x31: {  	[sflag:s19] =	ssyncadd.s32 $0xFFFFFF80  }
0x32: {  	[spmem:s2] =	stream.indirect.scatter.add.f32 [tilespmem:s20], [sflag:$0x1], $0x80, s3, s18, $0xb8;
	[tilespmem:$0x1C080] =	vst v63  }
0x33: {  	_ =	swait.ge [sflag:s19], $0x4000  }
0x34: {  	s23 =	simm.s32 $0x20;
	s22 =	simm.s32 $0x10;
	[sflag:s19] =	ssyncset.done $0x0  }
.LBB2_2:
0x35: {  	s24 =	sadd.s32 s22, s17  }
0x36: {  	[sflag:s19] =	ssyncadd.s32 $0xFFFFC000;
	s22 =	smov.u32 s23;
	s25 =	sadd.s32 $0x10, s23  }
0x37: {  	[tilespmem:s3], [sflag:$0x1] =	stream.linear.gather [hbm4b:s24+s3], $0x80, $0x38;
	[tilespmem:$0x1C080] =	vst v63  }
0x38: {  	p0 =	sne.s32 s23, $0x4E0;
	_ =	swait.ge [sflag:s19], $0x80  }
.Ltmp0:
0x39: {  	[sflag:s19] =	ssyncset.done $0x0;
	(pc) =	sbr.rel @p0 .LBB2_2-.Ltmp0, $4  }
0x3a: {  	[sflag:s19] =	ssyncadd.s32 $0xFFFFFF80  }
0x3b: {  	[spmem:s2] =	stream.indirect.scatter.add.f32 [tilespmem:s20], [sflag:$0x1], $0x80, s3, s18, $0xb8;
	[tilespmem:$0x1C080] =	vst v63  }
0x3c: {  	_ =	swait.ge [sflag:s19], $0x4000  }
0x3d: {  	s23 =	smov.u32 s25;
	[sflag:s19] =	ssyncset.done $0x0  }
0x3e: {  	s22 =	sadd.s32 s22, s17;
	[sflag:s19] =	ssyncadd.s32 $0xFFFFC000  }
0x3f: {  	[tilespmem:s3], [sflag:$0x1] =	stream.linear.gather [hbm4b:s22+s3], $0x80, $0x38;
	[tilespmem:$0x1C080] =	vst v63  }
0x40: {  	_ =	swait.ge [sflag:s19], $0x80  }
0x41: {  	[sflag:s19] =	ssyncset.done $0x0  }
0x42: {  	[sflag:s19] =	ssyncadd.s32 $0xFFFFFF80  }
0x43: {  	[spmem:s2] =	stream.indirect.scatter.add.f32 [tilespmem:s20], [sflag:$0x1], $0x80, s3, s18, $0xb8;
	[tilespmem:$0x1C080] =	vst v63  }
0x44: {  	_ =	swait.ge [sflag:s19], $0x4000  }
0x45: {  	[sflag:s19] =	ssyncset.done $0x0  }
0x46: {  	[sflag:s19] =	ssyncadd.s32 $0xFFFFC000  }
0x47: {  	[bflag:$0x0] =	sbarrier.arrive $0xFFFF  }
0x48: {  	[tilespmem:s18], [sflag:$0x1] =	stream.linear.gather [spmem:s6], $0x4000, $0x38;
	[tilespmem:$0x1C080] =	vst v63  }
0x49: {  	_ =	swait.ge [sflag:s19], $0x4000  }
0x4a: {  	[sflag:s19] =	ssyncset.done $0x0  }
0x4b: {  	[sflag:s19] =	ssyncadd.s32 $0xFFFFC000  }
0x4c: {  	[hbm4b:s11+s3] =	stream.linear.scatter [tilespmem:s18], [sflag:$0x1], $0x4000, $0x38;
	[tilespmem:$0x1C080] =	vst v63  }
0x4d: {  	_ =	swait.ge [sflag:s19], $0x4000  }
0x4e: {  	[sflag:s19] =	ssyncset.done $0x0  }
0x4f: {  	[sflag:s19] =	ssyncadd.s32 $0xFFFFC000  }
0x50: {  	[tilespmem:s18], [sflag:$0x1] =	stream.linear.gather [spmem:s8], $0x4000, $0x38;
	[tilespmem:$0x1C080] =	vst v63  }
0x51: {  	_ =	swait.ge [sflag:s19], $0x4000  }
0x52: {  	[sflag:s19] =	ssyncset.done $0x0  }
0x53: {  	[sflag:s19] =	ssyncadd.s32 $0xFFFFC000  }
0x54: {  	[hbm4b:s13+s3] =	stream.linear.scatter [tilespmem:s18], [sflag:$0x1], $0x4000, $0x38;
	[tilespmem:$0x1C080] =	vst v63  }
0x55: {  	_ =	swait.ge [sflag:s19], $0x4000  }
0x56: {  	[sflag:s19] =	ssyncset.done $0x0  }
0x57: {  	[sflag:s19] =	ssyncadd.s32 $0xFFFFC000  }
0x58: {  	[tilespmem:s18], [sflag:$0x1] =	stream.linear.gather [spmem:s9], $0x4000, $0x38;
	[tilespmem:$0x1C080] =	vst v63  }
0x59: {  	_ =	swait.ge [sflag:s19], $0x4000  }
0x5a: {  	[sflag:s19] =	ssyncset.done $0x0  }
0x5b: {  	[sflag:s19] =	ssyncadd.s32 $0xFFFFC000  }
0x5c: {  	[hbm4b:s14+s3] =	stream.linear.scatter [tilespmem:s18], [sflag:$0x1], $0x4000, $0x38;
	[tilespmem:$0x1C080] =	vst v63  }
0x5d: {  	_ =	swait.ge [sflag:s19], $0x4000  }
0x5e: {  	[sflag:s19] =	ssyncset.done $0x0  }
0x5f: {  	[sflag:s19] =	ssyncadd.s32 $0xFFFFC000  }
0x60: {  	[tilespmem:s18], [sflag:$0x1] =	stream.linear.gather [spmem:s10], $0x4000, $0x38;
	[tilespmem:$0x1C080] =	vst v63  }
0x61: {  	_ =	swait.ge [sflag:s19], $0x4000  }
0x62: {  	[sflag:s19] =	ssyncset.done $0x0  }
0x63: {  	[sflag:s19] =	ssyncadd.s32 $0xFFFFC000  }
0x64: {  	[hbm4b:s15+s3] =	stream.linear.scatter [tilespmem:s18], [sflag:$0x1], $0x4000, $0x38;
	[tilespmem:$0x1C080] =	vst v63  }
0x65: {  	_ =	swait.ge [sflag:s19], $0x4000  }
0x66: {  	[sflag:s19] =	ssyncset.done $0x0  }
0x67: {  	[sflag:s19] =	ssyncadd.s32 $0xFFFFC000  }
0x68: {  	[tilespmem:s18], [sflag:$0x1] =	stream.linear.gather [spmem:s12], $0x4000, $0x38;
	[tilespmem:$0x1C080] =	vst v63  }
0x69: {  	s21 =	sadd.s32 $0x1, s21;
	_ =	swait.ge [sflag:s19], $0x4000  }
0x6a: {  	p0 =	sne.s32 s21, s7;
	[sflag:s19] =	ssyncset.done $0x0  }
.Ltmp1:
0x6b: {  	[sflag:s19] =	ssyncadd.s32 $0xFFFFC000;
	(pc) =	sbr.rel @p0 .LBB2_1-.Ltmp1, $4  }
0x6c: {  	[hbm4b:s16+s3] =	stream.linear.scatter [tilespmem:s18], [sflag:$0x1], $0x4000, $0x38;
	[tilespmem:$0x1C080] =	vst v63  }
0x6d: {  	_ =	swait.ge [sflag:s19], $0x4000  }
0x6e: {  	[sflag:s19] =	ssyncset.done $0x0  }
0x6f: {  	[sflag:s19] =	ssyncadd.s32 $0xFFFFC000  }
0x70: {  	_ =	sfence.sel $0x180000  }
0x71: {  	[bflag:$0x0] =	sbarrier.arrive $0xFFFF  }
0x72: {  	p0 =	sne.s32 s1, $0x0;
	_ =	strace $0x9000004A  }
0x73: {  	s0 =	sadd.s32 @!p0 $0x100000, s0;
	[bflag:$0x2] =	sbarrier.arrive $0xFFFF  }
0x74: {  	[sflag:s0] =	ssyncadd.tile.s32 @!p0 $0x1;
	_ =	shalt  }
.Lfunc_end2:
_tile_overlayer_lowered:
.L_overlay_start_2:
0x75: {  	(tag) =	ssettag $0x2  }
0x76: {  	s0 =	rddreg [dreg:$0x0];
	s2 =	stileid.u32  }
0x77: {  	s1 =	rddreg [dreg:$0x1];
	p0 =	sne.s32 s2, $0x0  }
0x78: {  	s3 =	rddreg [dreg:$0x2];
	[bflag:$0x3] =	sbarrier.arrive $0xFFFF;
	s2 =	simm.s32 @!p0 $0x1C01  }
0x79: {  	[timem:s3], [sflag:s2] =	dma.local @!p0 [hbm:s0], s1  }
0x7a: {  	s0 =	simm.s32 @!p0 $0x1  }
0x7b: {  	_ =	swait.ge @!p0 [sflag:s0], s1  }
0x7c: {  	s1 =	ssub.s32 @!p0 $0x0, s1;
	[sflag:s0] =	ssyncset.done @!p0 $0x0  }
0x7d: {  	[sflag:s0] =	ssyncadd.s32 @!p0 s1  }
0x7e: {  	[bflag:$0x3] =	sbarrier.arrive $0xFFFF  }
0x7f: {  	_ =	shalt  }

// kernel: kernel.14.cloned.1.call-start
scs
__scs_entry_jumppad:
0x0: {  	(pc) =	sbr.rel $0x88, $3  }
0x1: {  	(tag) =	ssettag $0x0;
	lr =	simm.s32 $0x1  }
0x2: {  	[smem:$0x3F9A] =	sst lr;
	_ =	strace $0xD0000000  }
0x3: {  	_ = 	snop  }
0x4: {  	_ = 	snop  }
0x5: {  	_ = 	snop  }
0x6: {  	_ = 	snop  }
0x7: {  	_ = 	snop  }
__scs_overlays_trampoline_lowered:
0x8: {  	[smem:$0x3FA9] =	sst s0  }
0x9: {  	[smem:$0x3FAA] =	sst s1  }
0xa: {  	[smem:$0x3FAB] =	sst s2  }
0xb: {  	[smem:$0x3FAC] =	sst s3  }
0xc: {  	[smem:$0x3FAD] =	sst s4  }
0xd: {  	[smem:$0x3FAE] =	sst s5  }
0xe: {  	[smem:$0x3FAF] =	sst s6  }
0xf: {  	[smem:$0x3FB0] =	sst s7  }
0x10: {  	[smem:$0x3FB1] =	sst s8  }
0x11: {  	[smem:$0x3FB2] =	sst s9;
	s0 =	simm.s32 @!p0 $0x0  }
0x12: {  	s1 =	sld [smem:$0x3F98];
	s0 =	simm.s32 @p0 $0x1  }
0x13: {  	[smem:$0x3FB3] =	sst s0;
	s0 =	simm.s32 @!p1 $0x0  }
0x14: {  	s2 =	sld [smem:$0x3F97];
	s0 =	simm.s32 @p1 $0x1  }
0x15: {  	[smem:$0x3FB4] =	sst s0;
	s0 =	simm.s32 @!p2 $0x0  }
0x16: {  	s3 =	sld [smem:$0x3FDB];
	s0 =	simm.s32 @p2 $0x1  }
0x17: {  	s4 =	simm.s32 $0x1BF5;
	[smem:$0x3FB6] =	sst s0  }
0x18: {  	s0 =	sld [smem:$0x3F99];
	_ =	swait.ge [sflag:s4], $0x0  }
0x19: {  	s7 =	sld [smem:$0x3F9A]  }
0x1a: {  	s8 =	sadd.s32 $0xFFFFE003, lr  }
0x1b: {  	s9 =	sadd.s32 $0xFFFFFEF7, lr;
	s5 =	simm.s32 $0xFFFFFFFF;
	p2 =	slt.u32 s8, $0xFFFFF086  }
0x1c: {  	p1 =	slt.u32 s9, $0xF7A;
	s5 =	simm.s32 @!p2 $0x0  }
0x1d: {  	s5 =	simm.s32 @p1 $0x1;
	p0 =	seq.s32 s7, s2  }
0x1e: {  	s7 =	smul.u32 @!p0 $0xF7A, s2;
	p2 =	seq.s32 @!p0 s5, $0x0  }
0x1f: {  	s9 =	smul.u32 $0xF7A, s1;
	s8 =	simm.s32 @!p0 $0x1BF5;
	p2 =	por !p2, p0  }
0x20: {  	[sflag:s8] =	ssyncset.s32 @!p0 $0xFFFFF086;
	s6 =	sadd.s32 @!p0 s3, s7;
	s7 =	simm.s32 @!p0 $0x108  }
0x21: {  	s3 =	sadd.s32 s3, s9;
	s6 =	sadd.s32 @!p0 $0x88, s6;
	s7 =	simm.s32 @p2 $0x1082  }
0x22: {  	[simem:s7], [sflag:s8] =	dma.local @!p0 [hbm:s6], $0xF7A  }
0x23: {  	s9 =	sor.u32 $0xD0000000, s2;
	s6 =	simm.s32 $0x108;
	_ =	swait.ge @!p0 [sflag:s8], $0x0  }
0x24: {  	s3 =	sadd.s32 $0x88, s3;
	s6 =	simm.s32 @!p1 $0x1082;
	[sflag:s4] =	ssyncset.s32 $0xFFFFF086  }
0x25: {  	[simem:s6], [sflag:s4] =	dma.local [hbm:s3], $0xF7A  }
0x26: {  	[smem:$0x3F9A] =	sst s1;
	(tag) =	ssettag s2;
	_ =	strace s9  }
0x27: {  	s1 =	sld [smem:$0x3FAA]  }
0x28: {  	s2 =	sld [smem:$0x3FAB]  }
0x29: {  	s4 =	sld [smem:$0x3FAD]  }
0x2a: {  	p0 =	seq.s32 s5, $0x0;
	s5 =	sld [smem:$0x3FAE]  }
0x2b: {  	s6 =	sld [smem:$0x3FAF]  }
0x2c: {  	s7 =	sld [smem:$0x3FB0]  }
0x2d: {  	s3 =	simm.s32 $0x108;
	s8 =	sld [smem:$0x3FB1]  }
0x2e: {  	s3 =	simm.s32 @!p0 $0x1082;
	s9 =	sld [smem:$0x3FB2]  }
0x2f: {  	lr =	sadd.s32 s0, s3;
	s0 =	sld [smem:$0x3FA9]  }
0x30: {  	s3 =	sld [smem:$0x3FAC]  }
0x31: {  	[smem:$0x3FB5] =	sst s10  }
0x32: {  	s10 =	sld [smem:$0x3FB3];
	_ =	sdelay $0x3  }
0x33: {  	p0 =	seq.s32 s10, $0x1;
	s10 =	sld [smem:$0x3FB5];
	_ =	sdelay $0x3  }
0x34: {  	[smem:$0x3FB5] =	sst s10  }
0x35: {  	s10 =	sld [smem:$0x3FB4];
	_ =	sdelay $0x3  }
0x36: {  	p1 =	seq.s32 s10, $0x1;
	s10 =	sld [smem:$0x3FB5];
	_ =	sdelay $0x3  }
0x37: {  	[smem:$0x3FB5] =	sst s10  }
0x38: {  	s10 =	sld [smem:$0x3FB6]  }
0x39: {  	_ = 	snop;
	(pc) =	sbr.ind lr, $3  }
0x3a: {  	_ = 	snop  }
0x3b: {  	_ = 	snop  }
0x3c: {  	p2 =	seq.s32 s10, $0x1;
	s10 =	sld [smem:$0x3FB5]  }
0x3d: {  	_ =	shalt  }
0x3e: {  	_ =	shalt  }
0x3f: {  	_ =	shalt  }
0x40: {  	_ =	shalt  }
0x41: {  	_ =	shalt  }
0x42: {  	_ =	shalt  }
0x43: {  	_ =	shalt  }
0x44: {  	_ =	shalt  }
0x45: {  	_ =	shalt  }
0x46: {  	_ =	shalt  }
0x47: {  	_ =	shalt  }
0x48: {  	_ =	shalt  }
0x49: {  	_ =	shalt  }
0x4a: {  	_ =	shalt  }
0x4b: {  	_ =	shalt  }
0x4c: {  	_ =	shalt  }
0x4d: {  	_ =	shalt  }
0x4e: {  	_ =	shalt  }
0x4f: {  	_ =	shalt  }
0x50: {  	_ =	shalt  }
0x51: {  	_ =	shalt  }
0x52: {  	_ =	shalt  }
0x53: {  	_ =	shalt  }
0x54: {  	_ =	shalt  }
0x55: {  	_ =	shalt  }
0x56: {  	_ =	shalt  }
0x57: {  	_ =	shalt  }
0x58: {  	_ =	shalt  }
0x59: {  	_ =	shalt  }
0x5a: {  	_ =	shalt  }
0x5b: {  	_ =	shalt  }
0x5c: {  	_ =	shalt  }
0x5d: {  	_ =	shalt  }
0x5e: {  	_ =	shalt  }
0x5f: {  	_ =	shalt  }
0x60: {  	_ =	shalt  }
0x61: {  	_ =	shalt  }
0x62: {  	_ =	shalt  }
0x63: {  	_ =	shalt  }
0x64: {  	_ =	shalt  }
0x65: {  	_ =	shalt  }
0x66: {  	_ =	shalt  }
0x67: {  	_ =	shalt  }
0x68: {  	_ =	shalt  }
0x69: {  	_ =	shalt  }
0x6a: {  	_ =	shalt  }
0x6b: {  	_ =	shalt  }
0x6c: {  	_ =	shalt  }
0x6d: {  	_ =	shalt  }
0x6e: {  	_ =	shalt  }
0x6f: {  	_ =	shalt  }
0x70: {  	_ =	shalt  }
0x71: {  	_ =	shalt  }
0x72: {  	_ =	shalt  }
0x73: {  	_ =	shalt  }
0x74: {  	_ =	shalt  }
0x75: {  	_ =	shalt  }
0x76: {  	_ =	shalt  }
0x77: {  	_ =	shalt  }
0x78: {  	_ =	shalt  }
0x79: {  	_ =	shalt  }
0x7a: {  	_ =	shalt  }
0x7b: {  	_ =	shalt  }
0x7c: {  	_ =	shalt  }
0x7d: {  	_ =	shalt  }
0x7e: {  	_ =	shalt  }
0x7f: {  	_ =	shalt  }
0x80: {  	_ =	shalt  }
0x81: {  	_ =	shalt  }
0x82: {  	_ =	shalt  }
0x83: {  	_ =	shalt  }
0x84: {  	_ =	shalt  }
0x85: {  	_ =	shalt  }
0x86: {  	_ =	shalt  }
0x87: {  	_ =	shalt  }
.Lfunc_end0:
.L_simem_size_0:
called_computation.2_lowered:
.L_overlay_start_0:
0x88: {  	s2 =	sld [smem:$0x3FD9]  }
0x89: {  	s3 =	sld [smem:$0x3FFE];
	_ =	sdelay $0x1  }
0x8a: {  	s1 =	srdreg.scid  }
0x8b: {  	s0 =	sand.u32 $0x1, s1  }
0x8c: {  	s15 =	sshll.u32 s0, $0xA;
	s2 =	sadd.s32 s3, s2  }
0x8d: {  	s2 =	sadd.s32 s2, s15  }
0x8e: {  	[smem:$0x3FC1] =	sst s2  }
0x8f: {  	_ = 	snop  }
0x90: {  	s2 =	sld [smem:$0x3FD0];
	_ =	sdelay $0x2  }
0x91: {  	s16 =	simm.s32 $0xB;
	s4 =	simm.s32 $0x10  }
0x92: {  	[smem:s4], [sflag:s16] =	dma.local [hbm:s2], $0x1  }
0x93: {  	_ =	swait.eq [sflag:s16], $0x1  }
0x94: {  	[sflag:s16] =	ssyncset.done $0x0  }
0x95: {  	[sflag:s16] =	ssyncadd.s32 $0xFFFFFFFF  }
0x96: {  	s17 =	sld [smem:$0x10];
	(tm) =	ssettm $0x1  }
0x97: {  	s18 =	sld [smem:$0x3FFB];
	_ =	sdelay $0x3  }
0x98: {  	_ =	strace s18  }
0x99: {  	s2 =	sld [smem:$0x3FFC];
	_ =	sdelay $0x3  }
0x9a: {  	_ =	strace s2  }
0x9b: {  	s2 =	sld [smem:$0x3FFD];
	_ =	sdelay $0x3  }
0x9c: {  	_ =	strace s2  }
0x9d: {  	_ =	strace $0x8FFFFFFF  }
0x9e: {  	s19 =	sld [smem:$0x3FDB];
	_ =	sdelay $0x1  }
0x9f: {  	s20 =	simm.s32 $_scs_section_size  }
0xa0: {  	s5 =	simm.s32 $_size__tile_overlayer_lowered;
	s6 =	simm.s32 $_tile_overlayer_lowered  }
0xa1: {  	s7 =	simm.s32 $0x1BFF;
	s21 =	sshll.u32 s6, $0x1;
	s4 =	sadd.s32 s20, s19  }
0xa2: {  	s22 =	simm.s32 $0x0;
	s5 =	sshll.u32 s5, $0x1;
	s6 =	sadd.s32 s21, s4  }
0xa3: {  	[timem:s22], [sflag:s7] =	dma.local [hbm:s6], s5  }
0xa4: {  	_ =	swait.ge [sflag:s7], s5  }
0xa5: {  	s5 =	ssub.s32 $0x0, s5;
	[sflag:s7] =	ssyncset.done $0x0  }
0xa6: {  	[sflag:s7] =	ssyncadd.s32 s5;
	_ =	sdelay $0x1  }
0xa7: {  	s23 =	simm.s32 $0x1B8B  }
0xa8: {  	_ =	swait.ge [sflag:s23], $0x1  }
0xa9: {  	[sflag:s23] =	ssyncset.done $0x0  }
0xaa: {  	[sflag:s23] =	ssyncadd.s32 $0xFFFFFFFF  }
0xab: {  	s5 =	sld [smem:$0x0]  }
0xac: {  	s6 =	sand.u32 $0xFFFFFFFE, s1  }
0xad: {  	p0 =	sne.s32 s1, s6  }
0xae: {  	s6 =	sshll.u32 @p0 s6, $0xE  }
0xaf: {  	s6 =	sadd.s32 @p0 $0x11B8D, s6;
	s7 =	sshll.u32 @p0 s5, $0x11  }
0xb0: {  	s6 =	sor.u32 @p0 s7, s6  }
0xb1: {  	[sflag:s6] =	ssyncadd.remote.s32 @p0 $0x1;
	_ =	sdelay $0x1  }
0xb2: {  	s6 =	simm.s32 @p0 $0x1B8D  }
0xb3: {  	_ =	swait.eq @p0 [sflag:s6], $0x1  }
0xb4: {  	[sflag:s6] =	ssyncadd.s32 @p0 $0xFFFFFFFF  }
0xb5: {  	s7 =	sshll.u32 @!p0 s1, $0xE  }
0xb6: {  	s7 =	sor.u32 @!p0 $0x4000, s7;
	s6 =	simm.s32 @!p0 $0x1B8D  }
0xb7: {  	s5 =	sshll.u32 @!p0 s5, $0x11;
	s7 =	sadd.s32 @!p0 $0x11B8D, s7;
	_ =	swait.eq @!p0 [sflag:s6], $0x1  }
0xb8: {  	s5 =	sor.u32 @!p0 s5, s7;
	[sflag:s6] =	ssyncadd.s32 @!p0 $0xFFFFFFFF  }
0xb9: {  	s25 =	simm.s32 $0x1B8E;
	s24 =	sld [smem:$0x3FFE];
	[sflag:s5] =	ssyncadd.remote.s32 @!p0 $0x1  }
0xba: {  	s26 =	simm.s32 $execute0_lowered;
	[smem:$0x3FD2] =	sst s25  }
0xbb: {  	s6 =	sshll.u32 s26, $0x1;
	_ =	strace $0x8000004C;
	[dreg:$0x1] =	wrdreg $0xFFFFFFFF  }
0xbc: {  	s28 =	simm.s32 $_size_execute0_lowered;
	s4 =	sadd.s32 s4, s6;
	[dreg:$0x0] =	wrdreg $0x0  }
0xbd: {  	s6 =	sshll.u32 s28, $0x1;
	[dreg:$0x2] =	wrdreg s4  }
0xbe: {  	[dreg:$0x3] =	wrdreg s6  }
0xbf: {  	[dreg:$0x4] =	wrdreg $0xC0  }
0xc0: {  	_ =	task [dreg:s22], $0x5FFFF  }
0xc1: {  	[dreg:$0x1] =	wrdreg $0xFFFFFFFF  }
0xc2: {  	[dreg:$0x0] =	wrdreg $0x60  }
0xc3: {  	[dreg:$0x2] =	wrdreg s24  }
0xc4: {  	[dreg:$0x3] =	wrdreg s17  }
0xc5: {  	[dreg:$0x4] =	wrdreg $0x40800  }
0xc6: {  	[dreg:$0x5] =	wrdreg $0xA  }
0xc7: {  	_ =	task.clear_ibuf [dreg:s22], $0x6FFFF;
	_ =	strace $0x9000004C  }
0xc8: {  	s29 =	simm.s32 $0xA;
	_ =	strace $0x8000004E  }
0xc9: {  	_ =	swait.ge [sflag:s29], $0x1  }
0xca: {  	[sflag:s29] =	ssyncadd.s32 $0xFFFFFFFF  }
0xcb: {  	_ =	strace $0x9000004E  }
0xcc: {  	_ =	sfence  }
0xcd: {  	s30 =	sld [smem:$0x0];
	_ =	sdelay $0x2  }
0xce: {  	s31 =	sshll.u32 s1, $0xD;
	s1 =	sshrl.u32 s1, $0x2  }
0xcf: {  	s4 =	sand.u32 $0x4000, s31;
	s1 =	sadd.s32 s1, s30  }
0xd0: {  	s0 =	sor.u32 s4, s0;
	s1 =	sshll.u32 s1, $0x11  }
0xd1: {  	s0 =	sor.u32 s1, s0  }
0xd2: {  	s0 =	sadd.s32 $0x8F2B, s0  }
0xd3: {  	[sflag:s0] =	ssyncadd.remote.s32 $0x1  }
0xd4: {  	_ =	sfence.sel $0xFFFF  }
0xd5: {  	[dreg:$0x0] =	wrdreg $0xFFFFFFFF;
	(pc) =	sbr.abs _section_cstart, $3  }
0xd6: {  	[dreg:$0x1] =	wrdreg $0xFFFFFFFF  }
0xd7: {  	_ =	task.clear_ibuf [dreg:s22], $0x2FFFF;
	_ =	strace $0x9FFFFFFF  }
0xd8: {  	(tm) =	ssettm $0x7FFFFFFF  }
0xd9: {  	_ =	shalt  }
tec
execute0_lowered:
.L_overlay_start_1:
0x0: {  	(tag) =	ssettag $0x1  }
0x1: {  	s5 =	rddreg [dreg:$0x0];
	s1 =	stileid.u32  }
0x2: {  	s17 =	rddreg [dreg:$0x1];
	s6 =	smul.u32 $0x280, s1  }
0x3: {  	s0 =	srdreg.scid;
	s9 =	smul.u32 $0x50000, s1  }
0x4: {  	s2 =	rddreg [dreg:$0x2];
	s3 =	simm.s32 $0x0;
	s18 =	smul.u32 $0x2780, s1  }
0x5: {  	s8 =	sand.u32 $0x1, s0;
	s0 =	rddreg [dreg:$0x3];
	s19 =	smul.u32 $0x27800, s1  }
0x6: {  	s20 =	simm.s32 $0x0;
	[smem:$0x7FF] =	sst s3;
	s4 =	smul.u32 $0x278000, s8  }
0x7: {  	s7 =	smul.u32 $0x2800, s8;
	_ =	strace $0x8000004D;
	s30 =	ssub.s32 $0x2, s8  }
0x8: {  	s14 =	smul.u32 $0x27800, s8;
	s10 =	sshrl.u32 s30, $0x1;
	s9 =	sshrl.u32 s9, $0x2  }
0x9: {  	s15 =	sadd.s32 s4, s5;
	s4 =	sadd.s32 $0xA3D200, s5;
	s6 =	sadd.s32 s6, s7  }
0xa: {  	s31 =	ssub.s32 s30, s10;
	s18 =	sadd.s32 s18, s14;
	s6 =	sshll.u32 s6, $0x4  }
0xb: {  	s19 =	sadd.s32 s19, s15;
	s16 =	sadd.s32 s6, s5;
	s5 =	sadd.s32 s9, s2  }
0xc: {  	s18 =	sshrl.u32 s18, $0x3;
	s6 =	smax.u32 s31, $0x1;
	s7 =	sadd.s32 $0x4000, s5  }
0xd: {  	s8 =	sadd.s32 $0x8000, s5;
	s9 =	sadd.s32 $0xC000, s5;
	s10 =	sadd.s32 $0x10000, s5  }
0xe: {  	s17 =	sadd.s32 s18, s17;
	s11 =	sadd.s32 $0xA8E200, s16;
	s12 =	sadd.s32 $0xA8EA00, s16  }
0xf: {  	s18 =	simm.s32 $0x80;
	s13 =	sadd.s32 $0xA8F200, s16;
	s14 =	sadd.s32 $0xA8FA00, s16  }
0x10: {  	s15 =	sadd.s32 $0xA90200, s16;
	s16 =	sadd.s32 $0xF7E200, s19;
	s19 =	simm.s32 $0x1  }
.LBB2_1:
0x11: {  	[tilespmem:s18], [sflag:$0x1] =	stream.linear.gather [hbm4b:s4+s3], $0x4000, $0x38;
	[tilespmem:$0x18080] =	vst v63  }
0x12: {  	_ =	swait.ge [sflag:s19], $0x4000  }
0x13: {  	[sflag:s19] =	ssyncset.done $0x0  }
0x14: {  	[sflag:s19] =	ssyncadd.s32 $0xFFFFC000  }
0x15: {  	[spmem:s5] =	stream.linear.scatter [tilespmem:s18], [sflag:$0x1], $0x4000, $0x38;
	[tilespmem:$0x18080] =	vst v63  }
0x16: {  	_ =	swait.ge [sflag:s19], $0x4000  }
0x17: {  	[sflag:s19] =	ssyncset.done $0x0  }
0x18: {  	[sflag:s19] =	ssyncadd.s32 $0xFFFFC000  }
0x19: {  	[spmem:s7] =	stream.linear.scatter [tilespmem:s18], [sflag:$0x1], $0x4000, $0x38;
	[tilespmem:$0x18080] =	vst v63  }
0x1a: {  	_ =	swait.ge [sflag:s19], $0x4000  }
0x1b: {  	[sflag:s19] =	ssyncset.done $0x0  }
0x1c: {  	[sflag:s19] =	ssyncadd.s32 $0xFFFFC000  }
0x1d: {  	[spmem:s8] =	stream.linear.scatter [tilespmem:s18], [sflag:$0x1], $0x4000, $0x38;
	[tilespmem:$0x18080] =	vst v63  }
0x1e: {  	_ =	swait.ge [sflag:s19], $0x4000  }
0x1f: {  	[sflag:s19] =	ssyncset.done $0x0  }
0x20: {  	[sflag:s19] =	ssyncadd.s32 $0xFFFFC000  }
0x21: {  	[spmem:s9] =	stream.linear.scatter [tilespmem:s18], [sflag:$0x1], $0x4000, $0x38;
	[tilespmem:$0x18080] =	vst v63  }
0x22: {  	_ =	swait.ge [sflag:s19], $0x4000  }
0x23: {  	[sflag:s19] =	ssyncset.done $0x0  }
0x24: {  	[sflag:s19] =	ssyncadd.s32 $0xFFFFC000  }
0x25: {  	[spmem:s10] =	stream.linear.scatter [tilespmem:s18], [sflag:$0x1], $0x4000, $0x38;
	[tilespmem:$0x18080] =	vst v63  }
0x26: {  	_ =	swait.ge [sflag:s19], $0x4000  }
0x27: {  	[sflag:s19] =	ssyncset.done $0x0  }
0x28: {  	[sflag:s19] =	ssyncadd.s32 $0xFFFFC000  }
0x29: {  	s21 =	sadd.s32 $0x0, s17;
	[bflag:$0x0] =	sbarrier.arrive $0xFFFF  }
0x2a: {  	[tilespmem:s3], [sflag:$0x1] =	stream.linear.gather [hbm4b:s21+s3], $0x80, $0x38;
	[tilespmem:$0x18080] =	vst v63  }
0x2b: {  	_ =	swait.ge [sflag:s19], $0x80  }
0x2c: {  	[sflag:s19] =	ssyncset.done $0x0  }
0x2d: {  	[sflag:s19] =	ssyncadd.s32 $0xFFFFFF80  }
0x2e: {  	[tilespmem:s18], [sflag:$0x1] =	stream.linear.gather [hbm4b:s16+s3], $0x4000, $0x38;
	[tilespmem:$0x18080] =	vst v63  }
0x2f: {  	_ =	swait.ge [sflag:s19], $0x4000  }
0x30: {  	[sflag:s19] =	ssyncset.done $0x0  }
0x31: {  	[sflag:s19] =	ssyncadd.s32 $0xFFFFC000  }
0x32: {  	[spmem:s2] =	stream.indirect.scatter.add.f32 [tilespmem:s18], [sflag:$0x1], $0x80, s3, s18, $0xb8;
	[tilespmem:$0x18080] =	vst v63  }
0x33: {  	s22 =	simm.s32 $0x10;
	_ =	swait.ge [sflag:s19], $0x4000  }
0x34: {  	s23 =	simm.s32 $0x20;
	s21 =	sadd.s32 $0x800, s16;
	[sflag:s19] =	ssyncset.done $0x0  }
.LBB2_2:
0x35: {  	s24 =	sadd.s32 s22, s17  }
0x36: {  	[sflag:s19] =	ssyncadd.s32 $0xFFFFC000;
	s22 =	smov.u32 s23;
	s25 =	sadd.s32 $0x10, s23  }
0x37: {  	[tilespmem:s3], [sflag:$0x1] =	stream.linear.gather [hbm4b:s24+s3], $0x80, $0x38;
	[tilespmem:$0x18080] =	vst v63  }
0x38: {  	p0 =	sne.s32 s23, $0x4E0;
	_ =	swait.ge [sflag:s19], $0x80  }
0x39: {  	[sflag:s19] =	ssyncset.done $0x0  }
0x3a: {  	[sflag:s19] =	ssyncadd.s32 $0xFFFFFF80  }
0x3b: {  	[tilespmem:s18], [sflag:$0x1] =	stream.linear.gather [hbm4b:s21+s3], $0x4000, $0x38;
	[tilespmem:$0x18080] =	vst v63  }
0x3c: {  	_ =	swait.ge [sflag:s19], $0x4000  }
.Ltmp0:
0x3d: {  	[sflag:s19] =	ssyncset.done $0x0;
	(pc) =	sbr.rel @p0 .LBB2_2-.Ltmp0, $4  }
0x3e: {  	[sflag:s19] =	ssyncadd.s32 $0xFFFFC000  }
0x3f: {  	[spmem:s2] =	stream.indirect.scatter.add.f32 [tilespmem:s18], [sflag:$0x1], $0x80, s3, s18, $0xb8;
	[tilespmem:$0x18080] =	vst v63  }
0x40: {  	_ =	swait.ge [sflag:s19], $0x4000  }
0x41: {  	s23 =	smov.u32 s25;
	s21 =	sadd.s32 $0x800, s21;
	[sflag:s19] =	ssyncset.done $0x0  }
0x42: {  	s22 =	sadd.s32 s22, s17;
	[sflag:s19] =	ssyncadd.s32 $0xFFFFC000  }
0x43: {  	[tilespmem:s3], [sflag:$0x1] =	stream.linear.gather [hbm4b:s22+s3], $0x80, $0x38;
	[tilespmem:$0x18080] =	vst v63  }
0x44: {  	_ =	swait.ge [sflag:s19], $0x80  }
0x45: {  	[sflag:s19] =	ssyncset.done $0x0  }
0x46: {  	[sflag:s19] =	ssyncadd.s32 $0xFFFFFF80  }
0x47: {  	[tilespmem:s18], [sflag:$0x1] =	stream.linear.gather [hbm4b:s21+s3], $0x4000, $0x38;
	[tilespmem:$0x18080] =	vst v63  }
0x48: {  	_ =	swait.ge [sflag:s19], $0x4000  }
0x49: {  	[sflag:s19] =	ssyncset.done $0x0  }
0x4a: {  	[sflag:s19] =	ssyncadd.s32 $0xFFFFC000  }
0x4b: {  	[spmem:s2] =	stream.indirect.scatter.add.f32 [tilespmem:s18], [sflag:$0x1], $0x80, s3, s18, $0xb8;
	[tilespmem:$0x18080] =	vst v63  }
0x4c: {  	_ =	swait.ge [sflag:s19], $0x4000  }
0x4d: {  	[sflag:s19] =	ssyncset.done $0x0  }
0x4e: {  	[sflag:s19] =	ssyncadd.s32 $0xFFFFC000  }
0x4f: {  	[bflag:$0x0] =	sbarrier.arrive $0xFFFF  }
0x50: {  	[tilespmem:s18], [sflag:$0x1] =	stream.linear.gather [spmem:s5], $0x4000, $0x38;
	[tilespmem:$0x18080] =	vst v63  }
0x51: {  	_ =	swait.ge [sflag:s19], $0x4000  }
0x52: {  	[sflag:s19] =	ssyncset.done $0x0  }
0x53: {  	[sflag:s19] =	ssyncadd.s32 $0xFFFFC000  }
0x54: {  	[hbm4b:s11+s3] =	stream.linear.scatter [tilespmem:s18], [sflag:$0x1], $0x4000, $0x38;
	[tilespmem:$0x18080] =	vst v63  }
0x55: {  	_ =	swait.ge [sflag:s19], $0x4000  }
0x56: {  	[sflag:s19] =	ssyncset.done $0x0  }
0x57: {  	[sflag:s19] =	ssyncadd.s32 $0xFFFFC000  }
0x58: {  	[tilespmem:s18], [sflag:$0x1] =	stream.linear.gather [spmem:s7], $0x4000, $0x38;
	[tilespmem:$0x18080] =	vst v63  }
0x59: {  	_ =	swait.ge [sflag:s19], $0x4000  }
0x5a: {  	[sflag:s19] =	ssyncset.done $0x0  }
0x5b: {  	[sflag:s19] =	ssyncadd.s32 $0xFFFFC000  }
0x5c: {  	[hbm4b:s12+s3] =	stream.linear.scatter [tilespmem:s18], [sflag:$0x1], $0x4000, $0x38;
	[tilespmem:$0x18080] =	vst v63  }
0x5d: {  	_ =	swait.ge [sflag:s19], $0x4000  }
0x5e: {  	[sflag:s19] =	ssyncset.done $0x0  }
0x5f: {  	[sflag:s19] =	ssyncadd.s32 $0xFFFFC000  }
0x60: {  	[tilespmem:s18], [sflag:$0x1] =	stream.linear.gather [spmem:s8], $0x4000, $0x38;
	[tilespmem:$0x18080] =	vst v63  }
0x61: {  	_ =	swait.ge [sflag:s19], $0x4000  }
0x62: {  	[sflag:s19] =	ssyncset.done $0x0  }
0x63: {  	[sflag:s19] =	ssyncadd.s32 $0xFFFFC000  }
0x64: {  	[hbm4b:s13+s3] =	stream.linear.scatter [tilespmem:s18], [sflag:$0x1], $0x4000, $0x38;
	[tilespmem:$0x18080] =	vst v63  }
0x65: {  	_ =	swait.ge [sflag:s19], $0x4000  }
0x66: {  	[sflag:s19] =	ssyncset.done $0x0  }
0x67: {  	[sflag:s19] =	ssyncadd.s32 $0xFFFFC000  }
0x68: {  	[tilespmem:s18], [sflag:$0x1] =	stream.linear.gather [spmem:s9], $0x4000, $0x38;
	[tilespmem:$0x18080] =	vst v63  }
0x69: {  	_ =	swait.ge [sflag:s19], $0x4000  }
0x6a: {  	[sflag:s19] =	ssyncset.done $0x0  }
0x6b: {  	[sflag:s19] =	ssyncadd.s32 $0xFFFFC000  }
0x6c: {  	[hbm4b:s14+s3] =	stream.linear.scatter [tilespmem:s18], [sflag:$0x1], $0x4000, $0x38;
	[tilespmem:$0x18080] =	vst v63  }
0x6d: {  	_ =	swait.ge [sflag:s19], $0x4000  }
0x6e: {  	[sflag:s19] =	ssyncset.done $0x0  }
0x6f: {  	[sflag:s19] =	ssyncadd.s32 $0xFFFFC000  }
0x70: {  	[tilespmem:s18], [sflag:$0x1] =	stream.linear.gather [spmem:s10], $0x4000, $0x38;
	[tilespmem:$0x18080] =	vst v63  }
0x71: {  	s20 =	sadd.s32 $0x1, s20;
	_ =	swait.ge [sflag:s19], $0x4000  }
0x72: {  	p0 =	sne.s32 s20, s6;
	[sflag:s19] =	ssyncset.done $0x0  }
.Ltmp1:
0x73: {  	[sflag:s19] =	ssyncadd.s32 $0xFFFFC000;
	(pc) =	sbr.rel @p0 .LBB2_1-.Ltmp1, $4  }
0x74: {  	[hbm4b:s15+s3] =	stream.linear.scatter [tilespmem:s18], [sflag:$0x1], $0x4000, $0x38;
	[tilespmem:$0x18080] =	vst v63  }
0x75: {  	_ =	swait.ge [sflag:s19], $0x4000  }
0x76: {  	[sflag:s19] =	ssyncset.done $0x0  }
0x77: {  	[sflag:s19] =	ssyncadd.s32 $0xFFFFC000  }
0x78: {  	_ =	sfence.sel $0x180000  }
0x79: {  	[bflag:$0x0] =	sbarrier.arrive $0xFFFF  }
0x7a: {  	p0 =	sne.s32 s1, $0x0;
	_ =	strace $0x9000004D  }
0x7b: {  	s0 =	sadd.s32 @!p0 $0x100000, s0;
	[bflag:$0x2] =	sbarrier.arrive $0xFFFF  }
0x7c: {  	[sflag:s0] =	ssyncadd.tile.s32 @!p0 $0x1;
	_ =	shalt  }
.Lfunc_end2:
_tile_overlayer_lowered:
.L_overlay_start_2:
0x7d: {  	(tag) =	ssettag $0x2  }
0x7e: {  	s0 =	rddreg [dreg:$0x0];
	s2 =	stileid.u32  }
0x7f: {  	s1 =	rddreg [dreg:$0x1];
	p0 =	sne.s32 s2, $0x0  }
0x80: {  	s3 =	rddreg [dreg:$0x2];
	[bflag:$0x3] =	sbarrier.arrive $0xFFFF;
	s2 =	simm.s32 @!p0 $0x1C01  }
0x81: {  	[timem:s3], [sflag:s2] =	dma.local @!p0 [hbm:s0], s1  }
0x82: {  	s0 =	simm.s32 @!p0 $0x1  }
0x83: {  	_ =	swait.ge @!p0 [sflag:s0], s1  }
0x84: {  	s1 =	ssub.s32 @!p0 $0x0, s1;
	[sflag:s0] =	ssyncset.done @!p0 $0x0  }
0x85: {  	[sflag:s0] =	ssyncadd.s32 @!p0 s1  }
0x86: {  	[bflag:$0x3] =	sbarrier.arrive $0xFFFF  }
0x87: {  	_ =	shalt  }

// kernel: kernel.8.cloned.1.call-start
scs
__scs_entry_jumppad:
0x0: {  	(pc) =	sbr.rel $0x88, $3  }
0x1: {  	(tag) =	ssettag $0x0;
	lr =	simm.s32 $0x1  }
0x2: {  	[smem:$0x3F9A] =	sst lr;
	_ =	strace $0xD0000000  }
0x3: {  	_ = 	snop  }
0x4: {  	_ = 	snop  }
0x5: {  	_ = 	snop  }
0x6: {  	_ = 	snop  }
0x7: {  	_ = 	snop  }
__scs_overlays_trampoline_lowered:
0x8: {  	[smem:$0x3FA9] =	sst s0  }
0x9: {  	[smem:$0x3FAA] =	sst s1  }
0xa: {  	[smem:$0x3FAB] =	sst s2  }
0xb: {  	[smem:$0x3FAC] =	sst s3  }
0xc: {  	[smem:$0x3FAD] =	sst s4  }
0xd: {  	[smem:$0x3FAE] =	sst s5  }
0xe: {  	[smem:$0x3FAF] =	sst s6  }
0xf: {  	[smem:$0x3FB0] =	sst s7  }
0x10: {  	[smem:$0x3FB1] =	sst s8  }
0x11: {  	[smem:$0x3FB2] =	sst s9;
	s0 =	simm.s32 @!p0 $0x0  }
0x12: {  	s1 =	sld [smem:$0x3F98];
	s0 =	simm.s32 @p0 $0x1  }
0x13: {  	[smem:$0x3FB3] =	sst s0;
	s0 =	simm.s32 @!p1 $0x0  }
0x14: {  	s2 =	sld [smem:$0x3F97];
	s0 =	simm.s32 @p1 $0x1  }
0x15: {  	[smem:$0x3FB4] =	sst s0;
	s0 =	simm.s32 @!p2 $0x0  }
0x16: {  	s3 =	sld [smem:$0x3FDB];
	s0 =	simm.s32 @p2 $0x1  }
0x17: {  	s4 =	simm.s32 $0x1BF5;
	[smem:$0x3FB6] =	sst s0  }
0x18: {  	s0 =	sld [smem:$0x3F99];
	_ =	swait.ge [sflag:s4], $0x0  }
0x19: {  	s7 =	sld [smem:$0x3F9A]  }
0x1a: {  	s8 =	sadd.s32 $0xFFFFE003, lr  }
0x1b: {  	s9 =	sadd.s32 $0xFFFFFEF7, lr;
	s5 =	simm.s32 $0xFFFFFFFF;
	p2 =	slt.u32 s8, $0xFFFFF086  }
0x1c: {  	p1 =	slt.u32 s9, $0xF7A;
	s5 =	simm.s32 @!p2 $0x0  }
0x1d: {  	s5 =	simm.s32 @p1 $0x1;
	p0 =	seq.s32 s7, s2  }
0x1e: {  	s7 =	smul.u32 @!p0 $0xF7A, s2;
	p2 =	seq.s32 @!p0 s5, $0x0  }
0x1f: {  	s9 =	smul.u32 $0xF7A, s1;
	s8 =	simm.s32 @!p0 $0x1BF5;
	p2 =	por !p2, p0  }
0x20: {  	[sflag:s8] =	ssyncset.s32 @!p0 $0xFFFFF086;
	s6 =	sadd.s32 @!p0 s3, s7;
	s7 =	simm.s32 @!p0 $0x108  }
0x21: {  	s3 =	sadd.s32 s3, s9;
	s6 =	sadd.s32 @!p0 $0x88, s6;
	s7 =	simm.s32 @p2 $0x1082  }
0x22: {  	[simem:s7], [sflag:s8] =	dma.local @!p0 [hbm:s6], $0xF7A  }
0x23: {  	s9 =	sor.u32 $0xD0000000, s2;
	s6 =	simm.s32 $0x108;
	_ =	swait.ge @!p0 [sflag:s8], $0x0  }
0x24: {  	s3 =	sadd.s32 $0x88, s3;
	s6 =	simm.s32 @!p1 $0x1082;
	[sflag:s4] =	ssyncset.s32 $0xFFFFF086  }
0x25: {  	[simem:s6], [sflag:s4] =	dma.local [hbm:s3], $0xF7A  }
0x26: {  	[smem:$0x3F9A] =	sst s1;
	(tag) =	ssettag s2;
	_ =	strace s9  }
0x27: {  	s1 =	sld [smem:$0x3FAA]  }
0x28: {  	s2 =	sld [smem:$0x3FAB]  }
0x29: {  	s4 =	sld [smem:$0x3FAD]  }
0x2a: {  	p0 =	seq.s32 s5, $0x0;
	s5 =	sld [smem:$0x3FAE]  }
0x2b: {  	s6 =	sld [smem:$0x3FAF]  }
0x2c: {  	s7 =	sld [smem:$0x3FB0]  }
0x2d: {  	s3 =	simm.s32 $0x108;
	s8 =	sld [smem:$0x3FB1]  }
0x2e: {  	s3 =	simm.s32 @!p0 $0x1082;
	s9 =	sld [smem:$0x3FB2]  }
0x2f: {  	lr =	sadd.s32 s0, s3;
	s0 =	sld [smem:$0x3FA9]  }
0x30: {  	s3 =	sld [smem:$0x3FAC]  }
0x31: {  	[smem:$0x3FB5] =	sst s10  }
0x32: {  	s10 =	sld [smem:$0x3FB3];
	_ =	sdelay $0x3  }
0x33: {  	p0 =	seq.s32 s10, $0x1;
	s10 =	sld [smem:$0x3FB5];
	_ =	sdelay $0x3  }
0x34: {  	[smem:$0x3FB5] =	sst s10  }
0x35: {  	s10 =	sld [smem:$0x3FB4];
	_ =	sdelay $0x3  }
0x36: {  	p1 =	seq.s32 s10, $0x1;
	s10 =	sld [smem:$0x3FB5];
	_ =	sdelay $0x3  }
0x37: {  	[smem:$0x3FB5] =	sst s10  }
0x38: {  	s10 =	sld [smem:$0x3FB6]  }
0x39: {  	_ = 	snop;
	(pc) =	sbr.ind lr, $3  }
0x3a: {  	_ = 	snop  }
0x3b: {  	_ = 	snop  }
0x3c: {  	p2 =	seq.s32 s10, $0x1;
	s10 =	sld [smem:$0x3FB5]  }
0x3d: {  	_ =	shalt  }
0x3e: {  	_ =	shalt  }
0x3f: {  	_ =	shalt  }
0x40: {  	_ =	shalt  }
0x41: {  	_ =	shalt  }
0x42: {  	_ =	shalt  }
0x43: {  	_ =	shalt  }
0x44: {  	_ =	shalt  }
0x45: {  	_ =	shalt  }
0x46: {  	_ =	shalt  }
0x47: {  	_ =	shalt  }
0x48: {  	_ =	shalt  }
0x49: {  	_ =	shalt  }
0x4a: {  	_ =	shalt  }
0x4b: {  	_ =	shalt  }
0x4c: {  	_ =	shalt  }
0x4d: {  	_ =	shalt  }
0x4e: {  	_ =	shalt  }
0x4f: {  	_ =	shalt  }
0x50: {  	_ =	shalt  }
0x51: {  	_ =	shalt  }
0x52: {  	_ =	shalt  }
0x53: {  	_ =	shalt  }
0x54: {  	_ =	shalt  }
0x55: {  	_ =	shalt  }
0x56: {  	_ =	shalt  }
0x57: {  	_ =	shalt  }
0x58: {  	_ =	shalt  }
0x59: {  	_ =	shalt  }
0x5a: {  	_ =	shalt  }
0x5b: {  	_ =	shalt  }
0x5c: {  	_ =	shalt  }
0x5d: {  	_ =	shalt  }
0x5e: {  	_ =	shalt  }
0x5f: {  	_ =	shalt  }
0x60: {  	_ =	shalt  }
0x61: {  	_ =	shalt  }
0x62: {  	_ =	shalt  }
0x63: {  	_ =	shalt  }
0x64: {  	_ =	shalt  }
0x65: {  	_ =	shalt  }
0x66: {  	_ =	shalt  }
0x67: {  	_ =	shalt  }
0x68: {  	_ =	shalt  }
0x69: {  	_ =	shalt  }
0x6a: {  	_ =	shalt  }
0x6b: {  	_ =	shalt  }
0x6c: {  	_ =	shalt  }
0x6d: {  	_ =	shalt  }
0x6e: {  	_ =	shalt  }
0x6f: {  	_ =	shalt  }
0x70: {  	_ =	shalt  }
0x71: {  	_ =	shalt  }
0x72: {  	_ =	shalt  }
0x73: {  	_ =	shalt  }
0x74: {  	_ =	shalt  }
0x75: {  	_ =	shalt  }
0x76: {  	_ =	shalt  }
0x77: {  	_ =	shalt  }
0x78: {  	_ =	shalt  }
0x79: {  	_ =	shalt  }
0x7a: {  	_ =	shalt  }
0x7b: {  	_ =	shalt  }
0x7c: {  	_ =	shalt  }
0x7d: {  	_ =	shalt  }
0x7e: {  	_ =	shalt  }
0x7f: {  	_ =	shalt  }
0x80: {  	_ =	shalt  }
0x81: {  	_ =	shalt  }
0x82: {  	_ =	shalt  }
0x83: {  	_ =	shalt  }
0x84: {  	_ =	shalt  }
0x85: {  	_ =	shalt  }
0x86: {  	_ =	shalt  }
0x87: {  	_ =	shalt  }
.Lfunc_end0:
.L_simem_size_0:
called_computation_lowered:
.L_overlay_start_0:
0x88: {  	s2 =	sld [smem:$0x3FD9]  }
0x89: {  	s3 =	sld [smem:$0x3FFE];
	_ =	sdelay $0x1  }
0x8a: {  	s1 =	srdreg.scid  }
0x8b: {  	s0 =	sand.u32 $0x1, s1  }
0x8c: {  	s14 =	sshll.u32 s0, $0xA;
	s2 =	sadd.s32 s3, s2  }
0x8d: {  	s2 =	sadd.s32 s2, s14  }
0x8e: {  	[smem:$0x3FC1] =	sst s2  }
0x8f: {  	_ = 	snop  }
0x90: {  	s2 =	sld [smem:$0x3FD0];
	_ =	sdelay $0x2  }
0x91: {  	s15 =	simm.s32 $0xB;
	s4 =	simm.s32 $0x10  }
0x92: {  	[smem:s4], [sflag:s15] =	dma.local [hbm:s2], $0x1  }
0x93: {  	_ =	swait.eq [sflag:s15], $0x1  }
0x94: {  	[sflag:s15] =	ssyncset.done $0x0  }
0x95: {  	[sflag:s15] =	ssyncadd.s32 $0xFFFFFFFF  }
0x96: {  	s16 =	sld [smem:$0x10];
	(tm) =	ssettm $0x1  }
0x97: {  	s17 =	sld [smem:$0x3FFB];
	_ =	sdelay $0x3  }
0x98: {  	_ =	strace s17  }
0x99: {  	s3 =	sld [smem:$0x3FFC];
	_ =	sdelay $0x3  }
0x9a: {  	_ =	strace s3  }
0x9b: {  	s3 =	sld [smem:$0x3FFD];
	_ =	sdelay $0x3  }
0x9c: {  	_ =	strace s3  }
0x9d: {  	_ =	strace $0x8FFFFFFF  }
0x9e: {  	s18 =	sld [smem:$0x3FDB];
	_ =	sdelay $0x1  }
0x9f: {  	s19 =	simm.s32 $_scs_section_size  }
0xa0: {  	s5 =	simm.s32 $_size__tile_overlayer_lowered;
	s6 =	simm.s32 $_tile_overlayer_lowered  }
0xa1: {  	s22 =	simm.s32 $0x1BFF;
	s21 =	sshll.u32 s6, $0x1;
	s3 =	sadd.s32 s19, s18  }
0xa2: {  	s7 =	simm.s32 $0x0;
	s20 =	sshll.u32 s5, $0x1;
	s5 =	sadd.s32 s21, s3  }
0xa3: {  	[timem:s7], [sflag:s22] =	dma.local [hbm:s5], s20  }
0xa4: {  	_ =	swait.ge [sflag:s22], s20  }
0xa5: {  	s4 =	ssub.s32 $0x0, s20;
	[sflag:s22] =	ssyncset.done $0x0  }
0xa6: {  	[sflag:s22] =	ssyncadd.s32 s4;
	_ =	sdelay $0x1  }
0xa7: {  	s23 =	simm.s32 $0x1B8B  }
0xa8: {  	_ =	swait.ge [sflag:s23], $0x1  }
0xa9: {  	[sflag:s23] =	ssyncset.done $0x0  }
0xaa: {  	s25 =	simm.s32 $0x1B8E;
	s24 =	sld [smem:$0x3FFE];
	[sflag:s23] =	ssyncadd.s32 $0xFFFFFFFF  }
0xab: {  	s26 =	simm.s32 $execute0_lowered;
	[smem:$0x3FD2] =	sst s25  }
0xac: {  	s5 =	sshll.u32 s26, $0x1;
	_ =	strace $0x80000046;
	[dreg:$0x1] =	wrdreg $0xFFFFFFFF  }
0xad: {  	s28 =	simm.s32 $_size_execute0_lowered;
	s3 =	sadd.s32 s3, s5;
	[dreg:$0x0] =	wrdreg $0x0  }
0xae: {  	s5 =	sshll.u32 s28, $0x1;
	[dreg:$0x2] =	wrdreg s3  }
0xaf: {  	[dreg:$0x3] =	wrdreg s5  }
0xb0: {  	[dreg:$0x4] =	wrdreg $0xC0  }
0xb1: {  	_ =	task [dreg:s7], $0x5FFFF  }
0xb2: {  	[dreg:$0x1] =	wrdreg $0xFFFFFFFF  }
0xb3: {  	[dreg:$0x0] =	wrdreg $0x60  }
0xb4: {  	[dreg:$0x2] =	wrdreg s24  }
0xb5: {  	[dreg:$0x3] =	wrdreg s16  }
0xb6: {  	[dreg:$0x4] =	wrdreg $0xA  }
0xb7: {  	_ =	task.clear_ibuf [dreg:s7], $0x5FFFF;
	_ =	strace $0x90000046  }
0xb8: {  	s29 =	simm.s32 $0xA;
	_ =	strace $0x80000048  }
0xb9: {  	_ =	swait.ge [sflag:s29], $0x1  }
0xba: {  	[sflag:s29] =	ssyncadd.s32 $0xFFFFFFFF  }
0xbb: {  	_ =	strace $0x90000048  }
0xbc: {  	_ =	sfence  }
0xbd: {  	s30 =	sld [smem:$0x0];
	_ =	sdelay $0x2  }
0xbe: {  	s31 =	sshll.u32 s1, $0xD;
	s1 =	sshrl.u32 s1, $0x2  }
0xbf: {  	s3 =	sand.u32 $0x4000, s31;
	s1 =	sadd.s32 s1, s30  }
0xc0: {  	s0 =	sor.u32 s3, s0;
	s1 =	sshll.u32 s1, $0x11  }
0xc1: {  	s0 =	sor.u32 s1, s0  }
0xc2: {  	s0 =	sadd.s32 $0x8F2B, s0  }
0xc3: {  	[sflag:s0] =	ssyncadd.remote.s32 $0x1  }
0xc4: {  	_ =	sfence.sel $0xFFFF  }
0xc5: {  	[dreg:$0x0] =	wrdreg $0xFFFFFFFF;
	(pc) =	sbr.abs _section_cstart, $3  }
0xc6: {  	[dreg:$0x1] =	wrdreg $0xFFFFFFFF  }
0xc7: {  	_ =	task.clear_ibuf [dreg:s7], $0x2FFFF;
	_ =	strace $0x9FFFFFFF  }
0xc8: {  	(tm) =	ssettm $0x7FFFFFFF  }
0xc9: {  	_ =	shalt  }
tec
execute0_lowered:
.L_overlay_start_1:
0x0: {  	(tag) =	ssettag $0x1  }
0x1: {  	s5 =	rddreg [dreg:$0x0]  }
0x2: {  	s9 =	rddreg [dreg:$0x1]  }
0x3: {  	s0 =	rddreg [dreg:$0x2];
	s2 =	simm.s32 $0x0;
	s3 =	srdreg.scid  }
0x4: {  	s1 =	stileid.u32;
	s13 =	simm.s32 $0x4100;
	s14 =	simm.s32 $0x1  }
0x5: {  	s15 =	simm.s32 $0x2;
	s16 =	simm.s32 $0x0;
	s7 =	smul.u32 $0x4F00, s1  }
0x6: {  	[smem:$0x7FF] =	sst s2;
	s6 =	sand.u32 $0x1, s3;
	s10 =	smul.u32 $0x4F000, s1  }
0x7: {  	s3 =	sadd.s32 $0xD200, s5;
	s4 =	sadd.s32 $0x35200, s5;
	s8 =	smul.u32 $0x2780, s6  }
0x8: {  	_ =	strace $0x80000047;
	s28 =	ssub.s32 $0x2, s6;
	s6 =	smul.u32 $0x27800, s6  }
0x9: {  	s29 =	sadd.s32 s10, s5;
	s30 =	sshrl.u32 s28, $0x1;
	s7 =	sadd.s32 s8, s7  }
0xa: {  	s10 =	simm.s32 $0x3;
	s31 =	ssub.s32 s28, s30;
	s11 =	sshrl.u32 s7, $0x3  }
0xb: {  	s7 =	sadd.s32 s6, s29;
	s12 =	sadd.s32 s11, s5;
	s5 =	smax.u32 s31, $0x1  }
0xc: {  	s6 =	sadd.s32 $0x5D200, s7;
	s7 =	sadd.s32 $0x54D200, s7;
	s9 =	sadd.s32 s11, s9  }
0xd: {  	s11 =	simm.s32 $0x80;
	s8 =	sadd.s32 $0x3400, s12;
	s12 =	simm.s32 $0x100  }
.LBB2_1:
0xe: {  	s17 =	sadd.s32 $0x0, s9  }
0xf: {  	[tilespmem:s2], [sflag:$0x3] =	stream.linear.gather [hbm4b:s17+s2], $0x80, $0x38;
	[tilespmem:$0x8100] =	vst v63  }
0x10: {  	_ =	swait.ge [sflag:s10], $0x80  }
0x11: {  	[sflag:s10] =	ssyncset.done $0x0  }
0x12: {  	s31 =	sadd.s32 $0x0, s8;
	[sflag:s10] =	ssyncadd.s32 $0xFFFFFF80  }
0x13: {  	[tilespmem:s11], [sflag:$0x3] =	stream.linear.gather [hbm4b:s31+s2], $0x80, $0x38;
	[tilespmem:$0x8100] =	vst v63  }
0x14: {  	_ =	swait.ge [sflag:s10], $0x80  }
0x15: {  	[sflag:s10] =	ssyncset.done $0x0  }
0x16: {  	[sflag:s10] =	ssyncadd.s32 $0xFFFFFF80  }
0x17: {  	[tilespmem:s12], [sflag:$0x1] =	stream.indirect.gather [hbm4b:s3+s11], $0x80, s2, s11, $0xb8;
	[tilespmem:$0x8100] =	vst v63  }
0x18: {  	_ = 	snop  }
0x19: {  	[tilespmem:s13], [sflag:$0x2] =	stream.indirect.gather [hbm4b:s4+s11], $0x80, s11, s11, $0xb8;
	[tilespmem:$0x8100] =	vst v63  }
0x1a: {  	_ =	swait.ge [sflag:s14], $0x4000  }
0x1b: {  	[sflag:s14] =	ssyncset.done $0x0  }
0x1c: {  	[sflag:s14] =	ssyncadd.s32 $0xFFFFC000  }
0x1d: {  	_ =	swait.ge [sflag:s15], $0x4000  }
0x1e: {  	[sflag:s15] =	ssyncset.done $0x0  }
0x1f: {  	[sflag:s15] =	ssyncadd.s32 $0xFFFFC000  }
0x20: {  	[hbm4b:s6+s2] =	stream.linear.scatter [tilespmem:s12], [sflag:$0x3], $0x4000, $0x38;
	[tilespmem:$0x8100] =	vst v63  }
0x21: {  	_ =	swait.ge [sflag:s10], $0x4000  }
0x22: {  	[sflag:s10] =	ssyncset.done $0x0  }
0x23: {  	[sflag:s10] =	ssyncadd.s32 $0xFFFFC000  }
0x24: {  	[hbm4b:s7+s2] =	stream.linear.scatter [tilespmem:s13], [sflag:$0x3], $0x4000, $0x38;
	[tilespmem:$0x8100] =	vst v63  }
0x25: {  	s19 =	simm.s32 $0x10;
	s20 =	simm.s32 $0x20;
	_ =	swait.ge [sflag:s10], $0x4000  }
0x26: {  	s18 =	sadd.s32 $0x800, s6;
	s17 =	sadd.s32 $0x800, s7;
	[sflag:s10] =	ssyncset.done $0x0  }
.LBB2_2:
0x27: {  	s21 =	sadd.s32 s19, s9  }
0x28: {  	[sflag:s10] =	ssyncadd.s32 $0xFFFFC000;
	s22 =	smov.u32 s20;
	s23 =	sadd.s32 $0x10, s20  }
0x29: {  	[tilespmem:s2], [sflag:$0x3] =	stream.linear.gather [hbm4b:s21+s2], $0x80, $0x38;
	[tilespmem:$0x8100] =	vst v63  }
0x2a: {  	p0 =	sne.s32 s20, $0x4E0;
	_ =	swait.ge [sflag:s10], $0x80  }
0x2b: {  	[sflag:s10] =	ssyncset.done $0x0  }
0x2c: {  	s20 =	sadd.s32 s19, s8;
	s19 =	smov.u32 s22;
	[sflag:s10] =	ssyncadd.s32 $0xFFFFFF80  }
0x2d: {  	[tilespmem:s11], [sflag:$0x3] =	stream.linear.gather [hbm4b:s20+s2], $0x80, $0x38;
	[tilespmem:$0x8100] =	vst v63  }
0x2e: {  	_ =	swait.ge [sflag:s10], $0x80  }
0x2f: {  	[sflag:s10] =	ssyncset.done $0x0  }
0x30: {  	[sflag:s10] =	ssyncadd.s32 $0xFFFFFF80  }
0x31: {  	[tilespmem:s12], [sflag:$0x1] =	stream.indirect.gather [hbm4b:s3+s11], $0x80, s2, s11, $0xb8;
	[tilespmem:$0x8100] =	vst v63  }
0x32: {  	_ = 	snop  }
0x33: {  	[tilespmem:s13], [sflag:$0x2] =	stream.indirect.gather [hbm4b:s4+s11], $0x80, s11, s11, $0xb8;
	[tilespmem:$0x8100] =	vst v63  }
0x34: {  	_ =	swait.ge [sflag:s14], $0x4000  }
0x35: {  	[sflag:s14] =	ssyncset.done $0x0  }
0x36: {  	[sflag:s14] =	ssyncadd.s32 $0xFFFFC000  }
0x37: {  	_ =	swait.ge [sflag:s15], $0x4000  }
0x38: {  	[sflag:s15] =	ssyncset.done $0x0  }
0x39: {  	[sflag:s15] =	ssyncadd.s32 $0xFFFFC000  }
0x3a: {  	[hbm4b:s18+s2] =	stream.linear.scatter [tilespmem:s12], [sflag:$0x3], $0x4000, $0x38;
	[tilespmem:$0x8100] =	vst v63  }
0x3b: {  	_ =	swait.ge [sflag:s10], $0x4000  }
.Ltmp0:
0x3c: {  	[sflag:s10] =	ssyncset.done $0x0;
	(pc) =	sbr.rel @p0 .LBB2_2-.Ltmp0, $4  }
0x3d: {  	[sflag:s10] =	ssyncadd.s32 $0xFFFFC000  }
0x3e: {  	[hbm4b:s17+s2] =	stream.linear.scatter [tilespmem:s13], [sflag:$0x3], $0x4000, $0x38;
	[tilespmem:$0x8100] =	vst v63  }
0x3f: {  	s20 =	smov.u32 s23;
	_ =	swait.ge [sflag:s10], $0x4000  }
0x40: {  	s18 =	sadd.s32 $0x800, s18;
	s17 =	sadd.s32 $0x800, s17;
	[sflag:s10] =	ssyncset.done $0x0  }
0x41: {  	s20 =	sadd.s32 s19, s9;
	[sflag:s10] =	ssyncadd.s32 $0xFFFFC000  }
0x42: {  	[tilespmem:s2], [sflag:$0x3] =	stream.linear.gather [hbm4b:s20+s2], $0x80, $0x38;
	[tilespmem:$0x8100] =	vst v63  }
0x43: {  	_ =	swait.ge [sflag:s10], $0x80  }
0x44: {  	[sflag:s10] =	ssyncset.done $0x0  }
0x45: {  	s31 =	sadd.s32 s19, s8;
	[sflag:s10] =	ssyncadd.s32 $0xFFFFFF80  }
0x46: {  	[tilespmem:s11], [sflag:$0x3] =	stream.linear.gather [hbm4b:s31+s2], $0x80, $0x38;
	[tilespmem:$0x8100] =	vst v63  }
0x47: {  	_ =	swait.ge [sflag:s10], $0x80  }
0x48: {  	[sflag:s10] =	ssyncset.done $0x0  }
0x49: {  	[sflag:s10] =	ssyncadd.s32 $0xFFFFFF80  }
0x4a: {  	[tilespmem:s12], [sflag:$0x1] =	stream.indirect.gather [hbm4b:s3+s11], $0x80, s2, s11, $0xb8;
	[tilespmem:$0x8100] =	vst v63  }
0x4b: {  	_ = 	snop  }
0x4c: {  	[tilespmem:s13], [sflag:$0x2] =	stream.indirect.gather [hbm4b:s4+s11], $0x80, s11, s11, $0xb8;
	[tilespmem:$0x8100] =	vst v63  }
0x4d: {  	_ =	swait.ge [sflag:s14], $0x4000  }
0x4e: {  	[sflag:s14] =	ssyncset.done $0x0  }
0x4f: {  	[sflag:s14] =	ssyncadd.s32 $0xFFFFC000  }
0x50: {  	_ =	swait.ge [sflag:s15], $0x4000  }
0x51: {  	[sflag:s15] =	ssyncset.done $0x0  }
0x52: {  	[sflag:s15] =	ssyncadd.s32 $0xFFFFC000  }
0x53: {  	[hbm4b:s18+s2] =	stream.linear.scatter [tilespmem:s12], [sflag:$0x3], $0x4000, $0x38;
	[tilespmem:$0x8100] =	vst v63  }
0x54: {  	s16 =	sadd.s32 $0x1, s16;
	_ =	swait.ge [sflag:s10], $0x4000  }
0x55: {  	p0 =	sne.s32 s16, s5;
	[sflag:s10] =	ssyncset.done $0x0  }
.Ltmp1:
0x56: {  	[sflag:s10] =	ssyncadd.s32 $0xFFFFC000;
	(pc) =	sbr.rel @p0 .LBB2_1-.Ltmp1, $4  }
0x57: {  	[hbm4b:s17+s2] =	stream.linear.scatter [tilespmem:s13], [sflag:$0x3], $0x4000, $0x38;
	[tilespmem:$0x8100] =	vst v63  }
0x58: {  	_ =	swait.ge [sflag:s10], $0x4000  }
0x59: {  	[sflag:s10] =	ssyncset.done $0x0  }
0x5a: {  	[sflag:s10] =	ssyncadd.s32 $0xFFFFC000  }
0x5b: {  	_ =	sfence.sel $0x180000  }
0x5c: {  	[bflag:$0x0] =	sbarrier.arrive $0xFFFF  }
0x5d: {  	p0 =	sne.s32 s1, $0x0;
	_ =	strace $0x90000047  }
0x5e: {  	s0 =	sadd.s32 @!p0 $0x100000, s0;
	[bflag:$0x2] =	sbarrier.arrive $0xFFFF  }
0x5f: {  	[sflag:s0] =	ssyncadd.tile.s32 @!p0 $0x1;
	_ =	shalt  }
.Lfunc_end2:
_tile_overlayer_lowered:
.L_overlay_start_2:
0x60: {  	(tag) =	ssettag $0x2  }
0x61: {  	s0 =	rddreg [dreg:$0x0];
	s2 =	stileid.u32  }
0x62: {  	s1 =	rddreg [dreg:$0x1];
	p0 =	sne.s32 s2, $0x0  }
0x63: {  	s3 =	rddreg [dreg:$0x2];
	[bflag:$0x3] =	sbarrier.arrive $0xFFFF;
	s2 =	simm.s32 @!p0 $0x1C03  }
0x64: {  	[timem:s3], [sflag:s2] =	dma.local @!p0 [hbm:s0], s1  }
0x65: {  	s0 =	simm.s32 @!p0 $0x3  }
0x66: {  	_ =	swait.ge @!p0 [sflag:s0], s1  }
0x67: {  	s1 =	ssub.s32 @!p0 $0x0, s1;
	[sflag:s0] =	ssyncset.done @!p0 $0x0  }
0x68: {  	[sflag:s0] =	ssyncadd.s32 @!p0 s1  }
0x69: {  	[bflag:$0x3] =	sbarrier.arrive $0xFFFF  }
0x6a: {  	_ =	shalt  }

</sc_bundles>
